<compile_context>
chip_gen: v7x
topology: tpu7x:2x2x1
jax: 0.10.2.dev20260603
libtpu: 0.0.44.dev20260713+nightly
codegen_flags: <defaults>
</compile_context>

<pallas_src>
import jax
import jax.numpy as jnp
from jax.experimental import pallas as pl

B = 1024
D = 16
BI = 1024


def _score_body(h_ref, r_ref, t_ref, w_ref, out_ref):
    h = h_ref[...]
    r = r_ref[:B, :]
    t = t_ref[...]
    w = w_ref[:B, :]
    g = t - h
    d = r - g
    dk = jnp.sum(g, axis=0, keepdims=True)
    w2 = w * w
    b = dk * w2
    ww = jnp.sum(w2, axis=1, keepdims=True)
    dot = lambda a, c: jax.lax.dot_general(
        a, c, (((1,), (1,)), ((), ())),
        preferred_element_type=jnp.float32)
    ones_b = jnp.ones((B, D), jnp.float32)
    v = jnp.sum(w * w2 * dk, axis=1, keepdims=True)
    m = dot(w, g)
    pq = dot(jnp.concatenate([2.0 * w, 2.0 * (w * b)], axis=1),
             jnp.concatenate([d, ones_b], axis=1))
    gnd = dot(jnp.concatenate([2.0 * b, jnp.ones((BI, D), jnp.float32),
                               b * b], axis=1),
              jnp.concatenate([d, d * d, ones_b], axis=1))
    u = m - v
    acc = (u * ww + pq) * u + gnd
    out_ref[...] = jnp.sqrt(jnp.maximum(acc, 0.0))


def _score(ht, rp, wp):
    bp = rp.shape[0]
    return pl.pallas_call(
        _score_body,
        grid=(B // BI,),
        in_specs=[pl.BlockSpec((B, D), lambda i: (0, 0)),
                  pl.BlockSpec((bp, D), lambda i: (0, 0)),
                  pl.BlockSpec((B, D), lambda i: (1, 0)),
                  pl.BlockSpec((bp, D), lambda i: (0, 0))],
        out_specs=pl.BlockSpec((BI, B), lambda i: (i, 0)),
        out_shape=jax.ShapeDtypeStruct((B, B), jnp.float32),
    )(ht, rp, ht, wp)


def kernel(pos_sample, ent_emb, rel_emb, wr_emb):
    idx_h = pos_sample[:, 0]
    idx_r = pos_sample[:, 1]
    idx_t = pos_sample[:, 2]
    idx_rp = jnp.concatenate([idx_r, idx_r[:16]])
    mode = "promise_in_bounds"
    ht = ent_emb.at[jnp.concatenate([idx_h, idx_t])].get(mode=mode)
    r = rel_emb.at[idx_rp].get(mode=mode)
    w = wr_emb.at[idx_rp].get(mode=mode)
    return _score(ht, r, w)

# --- scband reference (transcript-rebuilt; emitter-appended) ---
"""Pipeline reference for scband-trans-h-11355893531166 (READ-ONLY COPY).

The authoritative reference and input builder live on the scoring server;
editing this copy changes nothing except your own understanding.
"""

import jax, jax.numpy as jnp
import numpy as np

ENT_TOT = 1000000
REL_TOT = 1000000
DIM = 16
MARGIN = 6.0
EPSILON = 2.0
BATCH = 1024


def setup_inputs(seed: int = 0) -> dict:
    key = jax.random.key(seed)
    k1, k2, k3, k4 = jax.random.split(key, 4)
    emb_range = (MARGIN + EPSILON) / DIM
    ent_emb = jax.random.uniform(k1, (ENT_TOT, DIM), minval=-emb_range, maxval=emb_range, dtype=jnp.float32)
    rel_emb = jax.random.uniform(k2, (REL_TOT, DIM), minval=-emb_range, maxval=emb_range, dtype=jnp.float32)
    # nn.Embedding default init is N(0, 1) for wr
    wr_emb = jax.random.normal(k3, (REL_TOT, DIM), dtype=jnp.float32)
    pos_sample = jax.random.randint(k4, (BATCH, 3), 0, ENT_TOT, dtype=jnp.int32)
    return {"pos_sample": pos_sample, "ent_emb": ent_emb, "rel_emb": rel_emb, "wr_emb": wr_emb}


def _project_to_hyperplane(entity, w):
    # entity: (B, d); w: (B, 1, d). Broadcasting yields (B, B, d), sum over dim=1 keepdims -> (B, 1, d),
    # final result broadcasts back to (B, B, d) -- faithful to the original torch semantics.
    return entity - jnp.sum(entity * w, axis=1, keepdims=True) * w


def reference(pos_sample, ent_emb, rel_emb, wr_emb):
    h = jnp.take(ent_emb, pos_sample[:, 0], axis=0)
    r = jnp.take(rel_emb, pos_sample[:, 1], axis=0)
    t = jnp.take(ent_emb, pos_sample[:, 2], axis=0)
    w = jnp.take(wr_emb, pos_sample[:, 1], axis=0)[:, None, :]  # (B, 1, d)
    h_proj = _project_to_hyperplane(h, w)  # (B, B, d)
    t_proj = _project_to_hyperplane(t, w)  # (B, B, d)
    # forward path with neg_sample=None, mode=None
    wr_h = jnp.sum(w * h_proj, axis=-1, keepdims=True)  # (B, B, 1)
    wr_h_wr = wr_h * w  # (B, B, d)
    wr_t = jnp.sum(w * t_proj, axis=-1, keepdims=True)
    wr_t_wr = wr_t * w
    score = h_proj - wr_h_wr + r - (t_proj - wr_t_wr)  # (B, B, d)
    score = jnp.linalg.norm(score, axis=-1)  # (B, B)
    return score

if __name__ == "__main__":
    import jax
    _d = setup_inputs()
    print(jax.jit(kernel)(*tuple(_d.values())))

</pallas_src>

<mosaic_0001>
module attributes {stable_mosaic.version = 14 : i64} {
  func.func @_score_body(%arg0: i32, %arg1: memref<1024x16xf32, #tpu.memory_space<vmem>>, %arg2: memref<1040x16xf32, #tpu.memory_space<vmem>>, %arg3: memref<1024x16xf32, #tpu.memory_space<vmem>>, %arg4: memref<1040x16xf32, #tpu.memory_space<vmem>>, %arg5: memref<1024x1024xf32, #tpu.memory_space<vmem>>) attributes {dimension_semantics = [#tpu.dimension_semantics<arbitrary>], iteration_bounds = array<i64: 1>, scalar_prefetch = 0 : i64, scratch_operands = 0 : i64, tpu.core_type = #tpu.core_type<tc>, window_params = [{transform_indices = @transform_0, window_bounds = array<i64: 1024, 16>}, {pipeline_mode = #tpu.pipeline_mode<synchronous>, transform_indices = @transform_1, window_bounds = array<i64: 1040, 16>}, {transform_indices = @transform_2, window_bounds = array<i64: 1024, 16>}, {pipeline_mode = #tpu.pipeline_mode<synchronous>, transform_indices = @transform_3, window_bounds = array<i64: 1040, 16>}, {transform_indices = @transform_4, window_bounds = array<i64: 1024, 1024>}]} {
    %get3A = arith.constant 0 : index
    %get3A_0 = arith.constant 0 : index
    %get3A_1 = vector.load %arg1[%get3A, %get3A_0] : memref<1024x16xf32, #tpu.memory_space<vmem>>, vector<1024x16xf32>
    %get3A_2 = arith.constant 0 : index
    %get3A_3 = arith.constant 0 : index
    %get3A_4 = vector.load %arg2[%get3A_2, %get3A_3] : memref<1040x16xf32, #tpu.memory_space<vmem>>, vector<1024x16xf32>
    %get3A_5 = arith.constant 0 : index
    %get3A_6 = arith.constant 0 : index
    %get3A_7 = vector.load %arg3[%get3A_5, %get3A_6] : memref<1024x16xf32, #tpu.memory_space<vmem>>, vector<1024x16xf32>
    %get3A_8 = arith.constant 0 : index
    %get3A_9 = arith.constant 0 : index
    %get3A_10 = vector.load %arg4[%get3A_8, %get3A_9] : memref<1040x16xf32, #tpu.memory_space<vmem>>, vector<1024x16xf32>
    %sub3A = arith.subf %get3A_7, %get3A_1 : vector<1024x16xf32>
    %sub3A_11 = arith.subf %get3A_4, %sub3A : vector<1024x16xf32>
    %reduce_sum3A = arith.constant dense<0.000000e+00> : vector<16xf32>
    %reduce_sum3A_12 = vector.multi_reduction <add>, %sub3A, %reduce_sum3A [0] : vector<1024x16xf32> to vector<16xf32>
    %broadcast_in_dim3A = vector.shape_cast %reduce_sum3A_12 : vector<16xf32> to vector<1x16xf32>
    %mul3A = arith.mulf %get3A_10, %get3A_10 : vector<1024x16xf32>
    %mul3A_13 = vector.broadcast %broadcast_in_dim3A : vector<1x16xf32> to vector<1024x16xf32>
    %mul3A_14 = arith.mulf %mul3A_13, %mul3A : vector<1024x16xf32>
    %reduce_sum3A_15 = arith.constant dense<0.000000e+00> : vector<1024xf32>
    %reduce_sum3A_16 = vector.multi_reduction <add>, %mul3A, %reduce_sum3A_15 [1] : vector<1024x16xf32> to vector<1024xf32>
    %broadcast_in_dim3A_17 = vector.shape_cast %reduce_sum3A_16 : vector<1024xf32> to vector<1024x1xf32>
    %broadcast_in_dim3A_18 = arith.constant 1.000000e+00 : f32
    %broadcast_in_dim3A_19 = vector.broadcast %broadcast_in_dim3A_18 : f32 to vector<1024x16xf32>
    %mul3A_20 = arith.mulf %get3A_10, %mul3A : vector<1024x16xf32>
    %mul3A_21 = vector.broadcast %broadcast_in_dim3A : vector<1x16xf32> to vector<1024x16xf32>
    %mul3A_22 = arith.mulf %mul3A_20, %mul3A_21 : vector<1024x16xf32>
    %reduce_sum3A_23 = arith.constant dense<0.000000e+00> : vector<1024xf32>
    %reduce_sum3A_24 = vector.multi_reduction <add>, %mul3A_22, %reduce_sum3A_23 [1] : vector<1024x16xf32> to vector<1024xf32>
    %broadcast_in_dim3A_25 = vector.shape_cast %reduce_sum3A_24 : vector<1024xf32> to vector<1024x1xf32>
    %dot_general3A = arith.constant dense<0.000000e+00> : vector<1024x1024xf32>
    %dot_general3A_26 = tpu.matmul %get3A_10, %sub3A, %dot_general3A {dimension_numbers = #tpu.dot_dimension_numbers<[1], [1], [0], [0], [0, 0, 1, 0], [], []>, transpose_lhs_hint = false} : vector<1024x16xf32>, vector<1024x16xf32>, vector<1024x1024xf32> -> vector<1024x1024xf32>
    %mul3A_27 = arith.constant 2.000000e+00 : f32
    %mul3A_28 = vector.broadcast %mul3A_27 : f32 to vector<1024x16xf32>
    %mul3A_29 = arith.mulf %mul3A_28, %get3A_10 : vector<1024x16xf32>
    %mul3A_30 = arith.mulf %get3A_10, %mul3A_14 : vector<1024x16xf32>
    %mul3A_31 = arith.constant 2.000000e+00 : f32
    %mul3A_32 = vector.broadcast %mul3A_31 : f32 to vector<1024x16xf32>
    %mul3A_33 = arith.mulf %mul3A_32, %mul3A_30 : vector<1024x16xf32>
    %concatenate3A = tpu.concatenate %mul3A_29, %mul3A_33 in 1 : vector<1024x16xf32>, vector<1024x16xf32> -> vector<1024x32xf32>
    %concatenate3A_34 = tpu.concatenate %sub3A_11, %broadcast_in_dim3A_19 in 1 : vector<1024x16xf32>, vector<1024x16xf32> -> vector<1024x32xf32>
    %dot_general3A_35 = arith.constant dense<0.000000e+00> : vector<1024x1024xf32>
    %dot_general3A_36 = tpu.matmul %concatenate3A, %concatenate3A_34, %dot_general3A_35 {dimension_numbers = #tpu.dot_dimension_numbers<[1], [1], [0], [0], [0, 0, 1, 0], [], []>, transpose_lhs_hint = false} : vector<1024x32xf32>, vector<1024x32xf32>, vector<1024x1024xf32> -> vector<1024x1024xf32>
    %mul3A_37 = arith.constant 2.000000e+00 : f32
    %mul3A_38 = vector.broadcast %mul3A_37 : f32 to vector<1024x16xf32>
    %mul3A_39 = arith.mulf %mul3A_38, %mul3A_14 : vector<1024x16xf32>
    %broadcast_in_dim3A_40 = arith.constant 1.000000e+00 : f32
    %broadcast_in_dim3A_41 = vector.broadcast %broadcast_in_dim3A_40 : f32 to vector<1024x16xf32>
    %mul3A_42 = arith.mulf %mul3A_14, %mul3A_14 : vector<1024x16xf32>
    %concatenate3A_43 = tpu.concatenate %mul3A_39, %broadcast_in_dim3A_41, %mul3A_42 in 1 : vector<1024x16xf32>, vector<1024x16xf32>, vector<1024x16xf32> -> vector<1024x48xf32>
    %mul3A_44 = arith.mulf %sub3A_11, %sub3A_11 : vector<1024x16xf32>
    %concatenate3A_45 = tpu.concatenate %sub3A_11, %mul3A_44, %broadcast_in_dim3A_19 in 1 : vector<1024x16xf32>, vector<1024x16xf32>, vector<1024x16xf32> -> vector<1024x48xf32>
    %dot_general3A_46 = arith.constant dense<0.000000e+00> : vector<1024x1024xf32>
    %dot_general3A_47 = tpu.matmul %concatenate3A_43, %concatenate3A_45, %dot_general3A_46 {dimension_numbers = #tpu.dot_dimension_numbers<[1], [1], [0], [0], [0, 0, 1, 0], [], []>, transpose_lhs_hint = false} : vector<1024x48xf32>, vector<1024x48xf32>, vector<1024x1024xf32> -> vector<1024x1024xf32>
    %sub3A_48 = vector.broadcast %broadcast_in_dim3A_25 : vector<1024x1xf32> to vector<1024x1024xf32>
    %sub3A_49 = arith.subf %dot_general3A_26, %sub3A_48 : vector<1024x1024xf32>
    %mul3A_50 = vector.broadcast %broadcast_in_dim3A_17 : vector<1024x1xf32> to vector<1024x1024xf32>
    %mul3A_51 = arith.mulf %sub3A_49, %mul3A_50 : vector<1024x1024xf32>
    %add3A = arith.addf %mul3A_51, %dot_general3A_36 : vector<1024x1024xf32>
    %mul3A_52 = arith.mulf %add3A, %sub3A_49 : vector<1024x1024xf32>
    %add3A_53 = arith.addf %mul3A_52, %dot_general3A_47 : vector<1024x1024xf32>
    %max3A = arith.constant 0.000000e+00 : f32
    %max3A_54 = vector.broadcast %max3A : f32 to vector<1024x1024xf32>
    %max3A_55 = arith.maximumf %add3A_53, %max3A_54 : vector<1024x1024xf32>
    %sqrt3A = math.sqrt %max3A_55 : vector<1024x1024xf32>
    %swap3A = arith.constant 0 : index
    %swap3A_56 = arith.constant 0 : index
    %swap3A_57 = vector.load %arg5[%swap3A, %swap3A_56] : memref<1024x1024xf32, #tpu.memory_space<vmem>>, vector<1024x1024xf32>
    tpu.vector_store %arg5[%swap3A, %swap3A_56], %sqrt3A {strides = array<i32>} : memref<1024x1024xf32, #tpu.memory_space<vmem>>, vector<1024x1024xf32>,
    return
  }
  func.func @transform_0(%arg0: i32) -> (i32, i32) {
    %c0_i32 = arith.constant 0 : i32
    %c0_i32_0 = arith.constant 0 : i32
    %c0_i32_1 = arith.constant 0 : i32
    return %c0_i32, %c0_i32_0 : i32, i32
  }
  func.func @transform_1(%arg0: i32) -> (i32, i32) {
    %c0_i32 = arith.constant 0 : i32
    %c0_i32_0 = arith.constant 0 : i32
    %c0_i32_1 = arith.constant 0 : i32
    return %c0_i32, %c0_i32_0 : i32, i32
  }
  func.func @transform_2(%arg0: i32) -> (i32, i32) {
    %c1_i32 = arith.constant 1 : i32
    %c0_i32 = arith.constant 0 : i32
    %c0_i32_0 = arith.constant 0 : i32
    return %c1_i32, %c0_i32 : i32, i32
  }
  func.func @transform_3(%arg0: i32) -> (i32, i32) {
    %c0_i32 = arith.constant 0 : i32
    %c0_i32_0 = arith.constant 0 : i32
    %c0_i32_1 = arith.constant 0 : i32
    return %c0_i32, %c0_i32_0 : i32, i32
  }
  func.func @transform_4(%arg0: i32) -> (i32, i32) {
    %c0_i32 = arith.constant 0 : i32
    %c0_i32_0 = arith.constant 0 : i32
    return %arg0, %c0_i32 : i32, i32
  }
}

</mosaic_0001>

<sc_bundles>
// kernel: gather_offload_async_start.1
scs
__scs_entry_jumppad:
0x0: {  	(pc) =	sbr.rel $0x88, $3  }
0x1: {  	(tag) =	ssettag $0x0;
	lr =	simm.s32 $0x1  }
0x2: {  	[smem:$0x3F9D] =	sst lr;
	_ =	strace $0xD0000000  }
0x3: {  	_ = 	snop  }
0x4: {  	_ = 	snop  }
0x5: {  	_ = 	snop  }
0x6: {  	_ = 	snop  }
0x7: {  	_ = 	snop  }
__scs_overlays_trampoline_lowered:
0x8: {  	[smem:$0x3FAC] =	sst s0  }
0x9: {  	[smem:$0x3FAD] =	sst s1  }
0xa: {  	[smem:$0x3FAE] =	sst s2  }
0xb: {  	[smem:$0x3FAF] =	sst s3  }
0xc: {  	[smem:$0x3FB0] =	sst s4  }
0xd: {  	[smem:$0x3FB1] =	sst s5  }
0xe: {  	[smem:$0x3FB2] =	sst s6  }
0xf: {  	[smem:$0x3FB3] =	sst s7  }
0x10: {  	[smem:$0x3FB4] =	sst s8  }
0x11: {  	[smem:$0x3FB5] =	sst s9;
	s0 =	simm.s32 @!p0 $0x0  }
0x12: {  	s1 =	sld [smem:$0x3F9B];
	s0 =	simm.s32 @p0 $0x1  }
0x13: {  	[smem:$0x3FB6] =	sst s0;
	s0 =	simm.s32 @!p1 $0x0  }
0x14: {  	s2 =	sld [smem:$0x3F9A];
	s0 =	simm.s32 @p1 $0x1  }
0x15: {  	[smem:$0x3FB7] =	sst s0;
	s0 =	simm.s32 @!p2 $0x0  }
0x16: {  	s3 =	sld [smem:$0x3FDB];
	s0 =	simm.s32 @p2 $0x1  }
0x17: {  	s4 =	simm.s32 $0x1BF5;
	[smem:$0x3FB9] =	sst s0  }
0x18: {  	s0 =	sld [smem:$0x3F9C];
	_ =	swait.ge [sflag:s4], $0x0  }
0x19: {  	s7 =	sld [smem:$0x3F9D]  }
0x1a: {  	s8 =	sadd.s32 $0xFFFFE003, lr  }
0x1b: {  	s9 =	sadd.s32 $0xFFFFFEF7, lr;
	s5 =	simm.s32 $0xFFFFFFFF;
	p2 =	slt.u32 s8, $0xFFFFF086  }
0x1c: {  	p1 =	slt.u32 s9, $0xF7A;
	s5 =	simm.s32 @!p2 $0x0  }
0x1d: {  	s5 =	simm.s32 @p1 $0x1;
	p0 =	seq.s32 s7, s2  }
0x1e: {  	s7 =	smul.u32 @!p0 $0xF7A, s2;
	p2 =	seq.s32 @!p0 s5, $0x0  }
0x1f: {  	s9 =	smul.u32 $0xF7A, s1;
	s8 =	simm.s32 @!p0 $0x1BF5;
	p2 =	por !p2, p0  }
0x20: {  	[sflag:s8] =	ssyncset.s32 @!p0 $0xFFFFF086;
	s6 =	sadd.s32 @!p0 s3, s7;
	s7 =	simm.s32 @!p0 $0x108  }
0x21: {  	s3 =	sadd.s32 s3, s9;
	s6 =	sadd.s32 @!p0 $0x88, s6;
	s7 =	simm.s32 @p2 $0x1082  }
0x22: {  	[simem:s7], [sflag:s8] =	dma.local @!p0 [hbm:s6], $0xF7A  }
0x23: {  	s9 =	sor.u32 $0xD0000000, s2;
	s6 =	simm.s32 $0x108;
	_ =	swait.ge @!p0 [sflag:s8], $0x0  }
0x24: {  	s3 =	sadd.s32 $0x88, s3;
	s6 =	simm.s32 @!p1 $0x1082;
	[sflag:s4] =	ssyncset.s32 $0xFFFFF086  }
0x25: {  	[simem:s6], [sflag:s4] =	dma.local [hbm:s3], $0xF7A  }
0x26: {  	[smem:$0x3F9D] =	sst s1;
	(tag) =	ssettag s2;
	_ =	strace s9  }
0x27: {  	s1 =	sld [smem:$0x3FAD]  }
0x28: {  	s2 =	sld [smem:$0x3FAE]  }
0x29: {  	s4 =	sld [smem:$0x3FB0]  }
0x2a: {  	p0 =	seq.s32 s5, $0x0;
	s5 =	sld [smem:$0x3FB1]  }
0x2b: {  	s6 =	sld [smem:$0x3FB2]  }
0x2c: {  	s7 =	sld [smem:$0x3FB3]  }
0x2d: {  	s3 =	simm.s32 $0x108;
	s8 =	sld [smem:$0x3FB4]  }
0x2e: {  	s3 =	simm.s32 @!p0 $0x1082;
	s9 =	sld [smem:$0x3FB5]  }
0x2f: {  	lr =	sadd.s32 s0, s3;
	s0 =	sld [smem:$0x3FAC]  }
0x30: {  	s3 =	sld [smem:$0x3FAF]  }
0x31: {  	[smem:$0x3FB8] =	sst s10  }
0x32: {  	s10 =	sld [smem:$0x3FB6];
	_ =	sdelay $0x3  }
0x33: {  	p0 =	seq.s32 s10, $0x1;
	s10 =	sld [smem:$0x3FB8];
	_ =	sdelay $0x3  }
0x34: {  	[smem:$0x3FB8] =	sst s10  }
0x35: {  	s10 =	sld [smem:$0x3FB7];
	_ =	sdelay $0x3  }
0x36: {  	p1 =	seq.s32 s10, $0x1;
	s10 =	sld [smem:$0x3FB8];
	_ =	sdelay $0x3  }
0x37: {  	[smem:$0x3FB8] =	sst s10  }
0x38: {  	s10 =	sld [smem:$0x3FB9]  }
0x39: {  	_ = 	snop;
	(pc) =	sbr.ind lr, $3  }
0x3a: {  	_ = 	snop  }
0x3b: {  	_ = 	snop  }
0x3c: {  	p2 =	seq.s32 s10, $0x1;
	s10 =	sld [smem:$0x3FB8]  }
0x3d: {  	_ =	shalt  }
0x3e: {  	_ =	shalt  }
0x3f: {  	_ =	shalt  }
0x40: {  	_ =	shalt  }
0x41: {  	_ =	shalt  }
0x42: {  	_ =	shalt  }
0x43: {  	_ =	shalt  }
0x44: {  	_ =	shalt  }
0x45: {  	_ =	shalt  }
0x46: {  	_ =	shalt  }
0x47: {  	_ =	shalt  }
0x48: {  	_ =	shalt  }
0x49: {  	_ =	shalt  }
0x4a: {  	_ =	shalt  }
0x4b: {  	_ =	shalt  }
0x4c: {  	_ =	shalt  }
0x4d: {  	_ =	shalt  }
0x4e: {  	_ =	shalt  }
0x4f: {  	_ =	shalt  }
0x50: {  	_ =	shalt  }
0x51: {  	_ =	shalt  }
0x52: {  	_ =	shalt  }
0x53: {  	_ =	shalt  }
0x54: {  	_ =	shalt  }
0x55: {  	_ =	shalt  }
0x56: {  	_ =	shalt  }
0x57: {  	_ =	shalt  }
0x58: {  	_ =	shalt  }
0x59: {  	_ =	shalt  }
0x5a: {  	_ =	shalt  }
0x5b: {  	_ =	shalt  }
0x5c: {  	_ =	shalt  }
0x5d: {  	_ =	shalt  }
0x5e: {  	_ =	shalt  }
0x5f: {  	_ =	shalt  }
0x60: {  	_ =	shalt  }
0x61: {  	_ =	shalt  }
0x62: {  	_ =	shalt  }
0x63: {  	_ =	shalt  }
0x64: {  	_ =	shalt  }
0x65: {  	_ =	shalt  }
0x66: {  	_ =	shalt  }
0x67: {  	_ =	shalt  }
0x68: {  	_ =	shalt  }
0x69: {  	_ =	shalt  }
0x6a: {  	_ =	shalt  }
0x6b: {  	_ =	shalt  }
0x6c: {  	_ =	shalt  }
0x6d: {  	_ =	shalt  }
0x6e: {  	_ =	shalt  }
0x6f: {  	_ =	shalt  }
0x70: {  	_ =	shalt  }
0x71: {  	_ =	shalt  }
0x72: {  	_ =	shalt  }
0x73: {  	_ =	shalt  }
0x74: {  	_ =	shalt  }
0x75: {  	_ =	shalt  }
0x76: {  	_ =	shalt  }
0x77: {  	_ =	shalt  }
0x78: {  	_ =	shalt  }
0x79: {  	_ =	shalt  }
0x7a: {  	_ =	shalt  }
0x7b: {  	_ =	shalt  }
0x7c: {  	_ =	shalt  }
0x7d: {  	_ =	shalt  }
0x7e: {  	_ =	shalt  }
0x7f: {  	_ =	shalt  }
0x80: {  	_ =	shalt  }
0x81: {  	_ =	shalt  }
0x82: {  	_ =	shalt  }
0x83: {  	_ =	shalt  }
0x84: {  	_ =	shalt  }
0x85: {  	_ =	shalt  }
0x86: {  	_ =	shalt  }
0x87: {  	_ =	shalt  }
.Lfunc_end0:
.L_simem_size_0:
called_computation.1_lowered:
.L_overlay_start_0:
0x88: {  	s2 =	sld [smem:$0x3FD9]  }
0x89: {  	s3 =	sld [smem:$0x3FFE];
	_ =	sdelay $0x1  }
0x8a: {  	s1 =	srdreg.scid  }
0x8b: {  	s0 =	sand.u32 $0x1, s1  }
0x8c: {  	s17 =	sshll.u32 s0, $0xA;
	s2 =	sadd.s32 s3, s2  }
0x8d: {  	s2 =	sadd.s32 s2, s17  }
0x8e: {  	[smem:$0x3FC4] =	sst s2  }
0x8f: {  	_ = 	snop  }
0x90: {  	s2 =	sld [smem:$0x3FC7];
	(tm) =	ssettm $0x1  }
0x91: {  	s18 =	sld [smem:$0x3FFB];
	_ =	sdelay $0x3  }
0x92: {  	_ =	strace s18  }
0x93: {  	s3 =	sld [smem:$0x3FFC];
	_ =	sdelay $0x3  }
0x94: {  	_ =	strace s3  }
0x95: {  	s3 =	sld [smem:$0x3FFD];
	_ =	sdelay $0x3  }
0x96: {  	_ =	strace s3  }
0x97: {  	_ =	strace $0x8FFFFFFF  }
0x98: {  	s19 =	sld [smem:$0x3FDB];
	_ =	sdelay $0x1  }
0x99: {  	s4 =	simm.s32 $_scs_section_size  }
0x9a: {  	s5 =	simm.s32 $_size__tile_overlayer_lowered;
	s6 =	simm.s32 $_tile_overlayer_lowered  }
0x9b: {  	s22 =	simm.s32 $0x1BFF;
	s21 =	sshll.u32 s6, $0x1;
	s3 =	sadd.s32 s4, s19  }
0x9c: {  	s7 =	simm.s32 $0x0;
	s20 =	sshll.u32 s5, $0x1;
	s5 =	sadd.s32 s21, s3  }
0x9d: {  	[timem:s7], [sflag:s22] =	dma.local [hbm:s5], s20  }
0x9e: {  	_ =	swait.ge [sflag:s22], s20  }
0x9f: {  	s4 =	ssub.s32 $0x0, s20;
	[sflag:s22] =	ssyncset.done $0x0  }
0xa0: {  	[sflag:s22] =	ssyncadd.s32 s4;
	_ =	sdelay $0x1  }
0xa1: {  	s23 =	simm.s32 $0x1B8B  }
0xa2: {  	_ =	swait.ge [sflag:s23], $0x1  }
0xa3: {  	[sflag:s23] =	ssyncset.done $0x0  }
0xa4: {  	s25 =	simm.s32 $0x1B8E;
	s24 =	sld [smem:$0x3FFE];
	[sflag:s23] =	ssyncadd.s32 $0xFFFFFFFF  }
0xa5: {  	s26 =	simm.s32 $execute0_lowered;
	[smem:$0x3FD2] =	sst s25  }
0xa6: {  	s5 =	sshll.u32 s26, $0x1;
	_ =	strace $0x80000046;
	[dreg:$0x1] =	wrdreg $0xFFFFFFFF  }
0xa7: {  	s28 =	simm.s32 $_size_execute0_lowered;
	s3 =	sadd.s32 s3, s5;
	[dreg:$0x0] =	wrdreg $0x0  }
0xa8: {  	s5 =	sshll.u32 s28, $0x1;
	[dreg:$0x2] =	wrdreg s3  }
0xa9: {  	[dreg:$0x3] =	wrdreg s5  }
0xaa: {  	[dreg:$0x4] =	wrdreg $0xC0  }
0xab: {  	_ =	task [dreg:s7], $0x5FFFF  }
0xac: {  	[dreg:$0x1] =	wrdreg $0xFFFFFFFF  }
0xad: {  	[dreg:$0x0] =	wrdreg $0x60  }
0xae: {  	[dreg:$0x2] =	wrdreg s2  }
0xaf: {  	[dreg:$0x3] =	wrdreg s24  }
0xb0: {  	[dreg:$0x4] =	wrdreg $0xA  }
0xb1: {  	_ =	task.clear_ibuf [dreg:s7], $0x5FFFF;
	_ =	strace $0x90000046  }
0xb2: {  	s29 =	simm.s32 $0xA;
	_ =	strace $0x80000048  }
0xb3: {  	_ =	swait.ge [sflag:s29], $0x1  }
0xb4: {  	[sflag:s29] =	ssyncadd.s32 $0xFFFFFFFF  }
0xb5: {  	_ =	strace $0x90000048  }
0xb6: {  	_ =	sfence  }
0xb7: {  	s30 =	sld [smem:$0x0];
	_ =	sdelay $0x2  }
0xb8: {  	s31 =	sshll.u32 s1, $0xD;
	s1 =	sshrl.u32 s1, $0x2  }
0xb9: {  	s3 =	sand.u32 $0x4000, s31;
	s1 =	sadd.s32 s1, s30  }
0xba: {  	s0 =	sor.u32 s3, s0;
	s1 =	sshll.u32 s1, $0x11  }
0xbb: {  	s0 =	sor.u32 s1, s0  }
0xbc: {  	s0 =	sadd.s32 $0x8F2B, s0  }
0xbd: {  	[sflag:s0] =	ssyncadd.remote.s32 $0x1  }
0xbe: {  	_ =	sfence.sel $0xFFFF  }
0xbf: {  	[dreg:$0x0] =	wrdreg $0xFFFFFFFF;
	(pc) =	sbr.abs _section_cstart, $3  }
0xc0: {  	[dreg:$0x1] =	wrdreg $0xFFFFFFFF  }
0xc1: {  	_ =	task.clear_ibuf [dreg:s7], $0x2FFFF;
	_ =	strace $0x9FFFFFFF  }
0xc2: {  	(tm) =	ssettm $0x7FFFFFFF  }
0xc3: {  	_ =	shalt  }
tec
execute0_lowered:
.L_overlay_start_1:
0x0: {  	(tag) =	ssettag $0x1  }
0x1: {  	s1 =	srdreg.scid;
	s2 =	rddreg [dreg:$0x0]  }
0x2: {  	s0 =	stileid.u32;
	s10 =	rddreg [dreg:$0x1]  }
0x3: {  	s5 =	simm.s32 $0x2;
	s6 =	simm.s32 $0x3;
	s1 =	sshll.u32 s1, $0x7  }
0x4: {  	s11 =	simm.s32 $0x0;
	s3 =	sshll.u32 s0, $0x8;
	s4 =	sand.u32 $0x80, s1  }
0x5: {  	s13 =	simm.s32 $0x0;
	s12 =	simm.s32 $0x0;
	s3 =	sor.u32 s3, s4  }
0x6: {  	s8 =	sadd.s32 $0xC00, s10;
	s1 =	rddreg [dreg:$0x2];
	s4 =	sshrl.u32 s3, $0x3  }
0x7: {  	_ =	strace $0x80000047;
	s7 =	ssub.s32 $0x480, s3;
	s9 =	sadd.s32 s4, s10  }
.Ltmp0:
0x8: {  	s4 =	simm.s32 $0x1;
	p0 =	sgt.s32 s7, $0x0;
	(pc) =	sbr.rel .LBB2_1-.Ltmp0, $4  }
0x9: {  	s10 =	sadd.s32 $0x1080, s10;
	[sflag:s4] =	ssyncpa.u1 $0x0;
	s7 =	simm.s32 @!p0 $0x0  }
0xa: {  	s9 =	sadd.s32 $0xA00, s9;
	[sflag:s5] =	ssyncpa.u1 $0x0;
	s7 =	sand.u32 $0xF80, s7  }
0xb: {  	[sflag:s6] =	ssyncpa.u1 $0x0;
	p0 =	sne.s32 s7, $0x0;
	s7 =	simm.s32 $0x1  }
0xc: {  	vm0 =	vmmov $0xffff;
	v0 =	vlaneseq.u32;
	s7 =	simm.s32 @!p0 $0x0;
	s6 =	simm.s32 @!p0 $0x2;
	p0 =	por $0x0, $0x0  }
.LBB2_4:
0xd: {  	_ =	sdelay $0x3  }
0xe: {  	[tilespmem:s22], [sflag:$0x1] =	stream.indirect_vreg.gather [hbm4b:s2+s11], $0x1, v1, vm0, $0x4038;
	[tilespmem:$0x1100] =	vst v63  }
0xf: {  	s16 =	sadd.s32 s18, s16  }
0x10: {  	v1 =	vld.msk [tilespmem:s16+$0x0 ss:$0x1], $0xffff;
	_ =	sdelay $0x4  }
0x11: {  	vm1 =	vgt.s32 v1, $0x0  }
0x12: {  	p1 =	sgt.s32 s19, $0x0;
	v1 =	vnsel vm1, $0x0, v1  }
0x13: {  	s19 =	simm.s32 @!p1 $0x0;
	v1 =	vmin.u32 v1, $0xF423F  }
0x14: {  	s28 =	smin.u32 s19, $0x10;
	v2 =	vshll.u32 v1, $0x3  }
0x15: {  	v3 =	vmov s28;
	v1 =	vand.u32 $0x7F, v1;
	v2 =	vand.u32 $0x7FFC00, v2  }
0x16: {  	vm1 =	vgt.u32 v3, v0;
	v1 =	vor.u32 v1, v2  }
0x17: {  	v2 =	vnsel vm1, $0x7FFFFFFF, v1;
	_ =	sdelay $0x1  }
0x18: {  	v3 =	vor.u32 $0x80, v1  }
0x19: {  	(ifvalue) =	ssetifvalue $0x7FFFFFFF;
	v3 =	vnsel vm1, $0x7FFFFFFF, v3  }
0x1a: {  	s16 =	sadd.s32 s18, s17;
	(ifvalue) =	ssetifvalue $0x7FFFFFFF  }
0x1b: {  	v4 =	vor.u32 $0x100, v1;
	[tilespmem:s16], [sflag:$0x1] =	stream.indirect_vreg.gather [hbm4b:s2+s11], $0x1, v2, vm0, $0x4038;
	[tilespmem:$0x1100] =	vst v63  }
0x1c: {  	(ifvalue) =	ssetifvalue $0x7FFFFFFF;
	v2 =	vnsel vm1, $0x7FFFFFFF, v4  }
0x1d: {  	s17 =	sadd.s32 $0x80, s16;
	(ifvalue) =	ssetifvalue $0x7FFFFFFF  }
0x1e: {  	v52 =	vor.u32 $0x180, v1;
	[tilespmem:s17], [sflag:$0x1] =	stream.indirect_vreg.gather [hbm4b:s2+s11], $0x1, v3, vm0, $0x4038;
	[tilespmem:$0x1100] =	vst v63  }
0x1f: {  	v3 =	vnsel vm1, $0x7FFFFFFF, v52;
	(ifvalue) =	ssetifvalue $0x7FFFFFFF  }
0x20: {  	s29 =	sadd.s32 $0x100, s16;
	(ifvalue) =	ssetifvalue $0x7FFFFFFF  }
0x21: {  	v53 =	vor.u32 $0x200, v1;
	[tilespmem:s29], [sflag:$0x1] =	stream.indirect_vreg.gather [hbm4b:s2+s11], $0x1, v2, vm0, $0x4038;
	[tilespmem:$0x1100] =	vst v63  }
0x22: {  	(ifvalue) =	ssetifvalue $0x7FFFFFFF;
	v2 =	vnsel vm1, $0x7FFFFFFF, v53  }
0x23: {  	s30 =	sadd.s32 $0x180, s16;
	(ifvalue) =	ssetifvalue $0x7FFFFFFF  }
0x24: {  	v54 =	vor.u32 $0x280, v1;
	[tilespmem:s30], [sflag:$0x1] =	stream.indirect_vreg.gather [hbm4b:s2+s11], $0x1, v3, vm0, $0x4038;
	[tilespmem:$0x1100] =	vst v63  }
0x25: {  	v3 =	vnsel vm1, $0x7FFFFFFF, v54;
	(ifvalue) =	ssetifvalue $0x7FFFFFFF  }
0x26: {  	s31 =	sadd.s32 $0x200, s16;
	(ifvalue) =	ssetifvalue $0x7FFFFFFF  }
0x27: {  	v55 =	vor.u32 $0x300, v1;
	[tilespmem:s31], [sflag:$0x1] =	stream.indirect_vreg.gather [hbm4b:s2+s11], $0x1, v2, vm0, $0x4038;
	[tilespmem:$0x1100] =	vst v63  }
0x28: {  	(ifvalue) =	ssetifvalue $0x7FFFFFFF;
	v2 =	vnsel vm1, $0x7FFFFFFF, v55  }
0x29: {  	s18 =	sadd.s32 $0x280, s16;
	(ifvalue) =	ssetifvalue $0x7FFFFFFF  }
0x2a: {  	v56 =	vor.u32 $0x380, v1;
	[tilespmem:s18], [sflag:$0x1] =	stream.indirect_vreg.gather [hbm4b:s2+s11], $0x1, v3, vm0, $0x4038;
	[tilespmem:$0x1100] =	vst v63  }
0x2b: {  	v3 =	vnsel vm1, $0x7FFFFFFF, v56;
	(ifvalue) =	ssetifvalue $0x7FFFFFFF  }
0x2c: {  	s19 =	sadd.s32 $0x300, s16;
	(ifvalue) =	ssetifvalue $0x7FFFFFFF  }
0x2d: {  	v57 =	vadd.s32 $0x7A1400, v1;
	[tilespmem:s19], [sflag:$0x1] =	stream.indirect_vreg.gather [hbm4b:s2+s11], $0x1, v2, vm0, $0x4038;
	[tilespmem:$0x1100] =	vst v63  }
0x2e: {  	(ifvalue) =	ssetifvalue $0x7FFFFFFF;
	v2 =	vnsel vm1, $0x7FFFFFFF, v57  }
0x2f: {  	s20 =	sadd.s32 $0x380, s16;
	(ifvalue) =	ssetifvalue $0x7FFFFFFF  }
0x30: {  	v58 =	vadd.s32 $0x7A1480, v1;
	[tilespmem:s20], [sflag:$0x1] =	stream.indirect_vreg.gather [hbm4b:s2+s11], $0x1, v3, vm0, $0x4038;
	[tilespmem:$0x1100] =	vst v63  }
0x31: {  	v3 =	vnsel vm1, $0x7FFFFFFF, v58;
	(ifvalue) =	ssetifvalue $0x7FFFFFFF  }
0x32: {  	s21 =	sadd.s32 $0x400, s16;
	(ifvalue) =	ssetifvalue $0x7FFFFFFF  }
0x33: {  	v59 =	vadd.s32 $0x7A1500, v1;
	[tilespmem:s21], [sflag:$0x1] =	stream.indirect_vreg.gather [hbm4b:s2+s11], $0x1, v2, vm0, $0x4038;
	[tilespmem:$0x1100] =	vst v63  }
0x34: {  	(ifvalue) =	ssetifvalue $0x7FFFFFFF;
	v2 =	vnsel vm1, $0x7FFFFFFF, v59  }
0x35: {  	s22 =	sadd.s32 $0x480, s16;
	(ifvalue) =	ssetifvalue $0x7FFFFFFF  }
0x36: {  	v60 =	vadd.s32 $0x7A1580, v1;
	[tilespmem:s22], [sflag:$0x1] =	stream.indirect_vreg.gather [hbm4b:s2+s11], $0x1, v3, vm0, $0x4038;
	[tilespmem:$0x1100] =	vst v63  }
0x37: {  	v3 =	vnsel vm1, $0x7FFFFFFF, v60;
	(ifvalue) =	ssetifvalue $0x7FFFFFFF  }
0x38: {  	s23 =	sadd.s32 $0x500, s16;
	(ifvalue) =	ssetifvalue $0x7FFFFFFF  }
0x39: {  	v61 =	vadd.s32 $0x7A1600, v1;
	[tilespmem:s23], [sflag:$0x1] =	stream.indirect_vreg.gather [hbm4b:s2+s11], $0x1, v2, vm0, $0x4038;
	[tilespmem:$0x1100] =	vst v63  }
0x3a: {  	(ifvalue) =	ssetifvalue $0x7FFFFFFF;
	v2 =	vnsel vm1, $0x7FFFFFFF, v61  }
0x3b: {  	s24 =	sadd.s32 $0x580, s16;
	(ifvalue) =	ssetifvalue $0x7FFFFFFF  }
0x3c: {  	v62 =	vadd.s32 $0x7A1680, v1;
	[tilespmem:s24], [sflag:$0x1] =	stream.indirect_vreg.gather [hbm4b:s2+s11], $0x1, v3, vm0, $0x4038;
	[tilespmem:$0x1100] =	vst v63  }
0x3d: {  	v3 =	vnsel vm1, $0x7FFFFFFF, v62;
	(ifvalue) =	ssetifvalue $0x7FFFFFFF  }
0x3e: {  	s25 =	sadd.s32 $0x600, s16;
	(ifvalue) =	ssetifvalue $0x7FFFFFFF  }
0x3f: {  	v63 =	vadd.s32 $0x7A1700, v1;
	[tilespmem:s25], [sflag:$0x1] =	stream.indirect_vreg.gather [hbm4b:s2+s11], $0x1, v2, vm0, $0x4038;
	[tilespmem:$0x1100] =	vst v63  }
0x40: {  	(ifvalue) =	ssetifvalue $0x7FFFFFFF;
	v2 =	vnsel vm1, $0x7FFFFFFF, v63  }
0x41: {  	s26 =	sadd.s32 $0x680, s16;
	(ifvalue) =	ssetifvalue $0x7FFFFFFF  }
0x42: {  	v1 =	vadd.s32 $0x7A1780, v1;
	[tilespmem:s26], [sflag:$0x1] =	stream.indirect_vreg.gather [hbm4b:s2+s11], $0x1, v3, vm0, $0x4038;
	[tilespmem:$0x1100] =	vst v63  }
0x43: {  	v1 =	vnsel vm1, $0x7FFFFFFF, v1;
	(ifvalue) =	ssetifvalue $0x7FFFFFFF  }
0x44: {  	s28 =	sadd.s32 $0x700, s16;
	(ifvalue) =	ssetifvalue $0x7FFFFFFF  }
0x45: {  	[tilespmem:s28], [sflag:$0x1] =	stream.indirect_vreg.gather [hbm4b:s2+s11], $0x1, v2, vm0, $0x4038;
	[tilespmem:$0x1100] =	vst v63  }
0x46: {  	(ifvalue) =	ssetifvalue $0x7FFFFFFF  }
0x47: {  	s16 =	sadd.s32 $0x780, s16;
	s29 =	sshll.u32 s13, $0x3;
	(ifvalue) =	ssetifvalue $0x7FFFFFFF  }
0x48: {  	[tilespmem:s16], [sflag:$0x1] =	stream.indirect_vreg.gather [hbm4b:s2+s11], $0x1, v1, vm0, $0x4038;
	[tilespmem:$0x1100] =	vst v63  }
0x49: {  	s30 =	sand.u32 $0x78, s13;
	s16 =	sand.u32 $0x7FFFFC00, s29  }
0x4a: {  	_ =	swait.ge [sflag:s4], $0x800;
	s13 =	sor.u32 s30, s16  }
0x4b: {  	[sflag:s4] =	ssyncset.done $0x0;
	s13 =	sshrl.u32 s13, $0x3  }
0x4c: {  	[sflag:s4] =	ssyncadd.s32 $0xFFFFF800;
	s31 =	sadd.s32 s8, s13  }
0x4d: {  	[hbm:s31] =	stream.linear.scatter [tilespmem:s15], [sflag:$0x3], $0x400, $0x38;
	[tilespmem:$0x1100] =	vst v63  }
0x4e: {  	s14 =	sadd.s32 $0x500, s14;
	s13 =	sadd.s32 s13, s10  }
0x4f: {  	[hbm:s13] =	stream.linear.scatter [tilespmem:s14], [sflag:$0x3], $0x400, $0x38;
	[tilespmem:$0x1100] =	vst v63  }
.LBB2_5:
0x50: {  	p1 =	slt.u32 s12, $0x2;
	s12 =	sadd.s32 $0x1, s12  }
0x51: {  	p2 =	sne.s32 s12, s6  }
.Ltmp1:
0x52: {  	_ = 	snop;
	(pc) =	sbr.rel @!p2 .LBB2_6-.Ltmp1, $4  }
0x53: {  	s13 =	simm.s32 @!p1 $0x3  }
0x54: {  	_ =	swait.ge @!p1 [sflag:s13], $0x800  }
0x55: {  	[sflag:s13] =	ssyncset.done @!p1 $0x0  }
0x56: {  	p0 =	por !p0, !p0;
	[sflag:s13] =	ssyncadd.s32 @!p1 $0xFFFFF800;
	s13 =	smov.u32 s3  }
.LBB2_1:
0x57: {  	p1 =	sge.u32 s12, s7  }
0x58: {  	s31 =	sadd.s32 $0xFFFFFFFF, s12;
	s14 =	simm.s32 @!p1 $0x0;
	s15 =	simm.s32 @!p1 $0x80  }
0x59: {  	[tilespmem:s15], [sflag:$0x2] =	stream.linear.gather @!p1 [hbm4b:s9+s14], $0x80, $0x38;
	[tilespmem:$0x1100] =	vst v63  }
0x5a: {  	p1 =	sge.u32 s31, s7  }
.Ltmp2:
0x5b: {  	_ = 	snop;
	(pc) =	sbr.rel @p1 .LBB2_5-.Ltmp2, $1  }
0x5c: {  	_ =	sdelay $0x3  }
0x5d: {  	s14 =	simm.s32 $0x1  }
0x5e: {  	_ =	swait.ge [sflag:s5], $0x80;
	s14 =	simm.s32 @!p0 $0x0  }
0x5f: {  	[sflag:s5] =	ssyncset.done $0x0;
	s16 =	sshll.u32 s14, $0x7  }
0x60: {  	[sflag:s5] =	ssyncadd.s32 $0xFFFFFF80;
	s15 =	sadd.s32 $0x0, s16  }
0x61: {  	v1 =	vld.msk [tilespmem:s15+$0x0 ss:$0x1], $0xffff;
	_ =	sdelay $0x2  }
0x62: {  	s19 =	ssub.s32 $0x410, s13  }
0x63: {  	p1 =	slt.s32 s19, $0x80  }
0x64: {  	s19 =	simm.s32 @!p1 $0x80;
	vm1 =	vgt.s32 v1, $0x0  }
0x65: {  	p1 =	sgt.s32 s19, $0x0;
	s15 =	smov.u32 s19;
	v1 =	vnsel vm1, $0x0, v1  }
0x66: {  	s15 =	simm.s32 @!p1 $0x0;
	v1 =	vmin.u32 v1, $0xF423F  }
0x67: {  	s15 =	smin.u32 s15, $0x10;
	v2 =	vshll.u32 v1, $0x3  }
0x68: {  	v3 =	vmov s15;
	v1 =	vand.u32 $0x7F, v1;
	v2 =	vand.u32 $0x7FFC00, v2  }
0x69: {  	vm1 =	vgt.u32 v3, v0;
	v1 =	vor.u32 v1, v2  }
0x6a: {  	v2 =	vnsel vm1, $0x7FFFFFFF, v1;
	_ =	sdelay $0x1  }
0x6b: {  	s14 =	sshll.u32 s14, $0xB;
	v3 =	vor.u32 $0x80, v1  }
0x6c: {  	s17 =	sor.u32 $0x100, s14;
	(ifvalue) =	ssetifvalue $0x7FFFFFFF;
	v3 =	vnsel vm1, $0x7FFFFFFF, v3  }
0x6d: {  	s20 =	sadd.s32 $0x0, s17;
	(ifvalue) =	ssetifvalue $0x7FFFFFFF  }
0x6e: {  	v4 =	vor.u32 $0x100, v1;
	[tilespmem:s20], [sflag:$0x1] =	stream.indirect_vreg.gather [hbm4b:s2+s11], $0x1, v2, vm0, $0x4038;
	[tilespmem:$0x1100] =	vst v63  }
0x6f: {  	(ifvalue) =	ssetifvalue $0x7FFFFFFF;
	v2 =	vnsel vm1, $0x7FFFFFFF, v4  }
0x70: {  	s30 =	sadd.s32 $0x80, s20;
	(ifvalue) =	ssetifvalue $0x7FFFFFFF  }
0x71: {  	v52 =	vor.u32 $0x180, v1;
	[tilespmem:s30], [sflag:$0x1] =	stream.indirect_vreg.gather [hbm4b:s2+s11], $0x1, v3, vm0, $0x4038;
	[tilespmem:$0x1100] =	vst v63  }
0x72: {  	v3 =	vnsel vm1, $0x7FFFFFFF, v52;
	(ifvalue) =	ssetifvalue $0x7FFFFFFF  }
0x73: {  	s31 =	sadd.s32 $0x100, s20;
	(ifvalue) =	ssetifvalue $0x7FFFFFFF  }
0x74: {  	v53 =	vor.u32 $0x200, v1;
	[tilespmem:s31], [sflag:$0x1] =	stream.indirect_vreg.gather [hbm4b:s2+s11], $0x1, v2, vm0, $0x4038;
	[tilespmem:$0x1100] =	vst v63  }
0x75: {  	(ifvalue) =	ssetifvalue $0x7FFFFFFF;
	v2 =	vnsel vm1, $0x7FFFFFFF, v53  }
0x76: {  	s15 =	sadd.s32 $0x180, s20;
	(ifvalue) =	ssetifvalue $0x7FFFFFFF  }
0x77: {  	v54 =	vor.u32 $0x280, v1;
	[tilespmem:s15], [sflag:$0x1] =	stream.indirect_vreg.gather [hbm4b:s2+s11], $0x1, v3, vm0, $0x4038;
	[tilespmem:$0x1100] =	vst v63  }
0x78: {  	v3 =	vnsel vm1, $0x7FFFFFFF, v54;
	(ifvalue) =	ssetifvalue $0x7FFFFFFF  }
0x79: {  	s18 =	sadd.s32 $0x200, s20;
	(ifvalue) =	ssetifvalue $0x7FFFFFFF  }
0x7a: {  	v55 =	vor.u32 $0x300, v1;
	[tilespmem:s18], [sflag:$0x1] =	stream.indirect_vreg.gather [hbm4b:s2+s11], $0x1, v2, vm0, $0x4038;
	[tilespmem:$0x1100] =	vst v63  }
0x7b: {  	(ifvalue) =	ssetifvalue $0x7FFFFFFF;
	v2 =	vnsel vm1, $0x7FFFFFFF, v55  }
0x7c: {  	s21 =	sadd.s32 $0x280, s20;
	(ifvalue) =	ssetifvalue $0x7FFFFFFF  }
0x7d: {  	v56 =	vor.u32 $0x380, v1;
	[tilespmem:s21], [sflag:$0x1] =	stream.indirect_vreg.gather [hbm4b:s2+s11], $0x1, v3, vm0, $0x4038;
	[tilespmem:$0x1100] =	vst v63  }
0x7e: {  	v3 =	vnsel vm1, $0x7FFFFFFF, v56;
	(ifvalue) =	ssetifvalue $0x7FFFFFFF  }
0x7f: {  	s22 =	sadd.s32 $0x300, s20;
	(ifvalue) =	ssetifvalue $0x7FFFFFFF  }
0x80: {  	v57 =	vadd.s32 $0x7A1400, v1;
	[tilespmem:s22], [sflag:$0x1] =	stream.indirect_vreg.gather [hbm4b:s2+s11], $0x1, v2, vm0, $0x4038;
	[tilespmem:$0x1100] =	vst v63  }
0x81: {  	(ifvalue) =	ssetifvalue $0x7FFFFFFF;
	v2 =	vnsel vm1, $0x7FFFFFFF, v57  }
0x82: {  	s23 =	sadd.s32 $0x380, s20;
	(ifvalue) =	ssetifvalue $0x7FFFFFFF  }
0x83: {  	v58 =	vadd.s32 $0x7A1480, v1;
	[tilespmem:s23], [sflag:$0x1] =	stream.indirect_vreg.gather [hbm4b:s2+s11], $0x1, v3, vm0, $0x4038;
	[tilespmem:$0x1100] =	vst v63  }
0x84: {  	v3 =	vnsel vm1, $0x7FFFFFFF, v58;
	(ifvalue) =	ssetifvalue $0x7FFFFFFF  }
0x85: {  	s24 =	sadd.s32 $0x400, s20;
	(ifvalue) =	ssetifvalue $0x7FFFFFFF  }
0x86: {  	v59 =	vadd.s32 $0x7A1500, v1;
	[tilespmem:s24], [sflag:$0x1] =	stream.indirect_vreg.gather [hbm4b:s2+s11], $0x1, v2, vm0, $0x4038;
	[tilespmem:$0x1100] =	vst v63  }
0x87: {  	(ifvalue) =	ssetifvalue $0x7FFFFFFF;
	v2 =	vnsel vm1, $0x7FFFFFFF, v59  }
0x88: {  	s25 =	sadd.s32 $0x480, s20;
	(ifvalue) =	ssetifvalue $0x7FFFFFFF  }
0x89: {  	v60 =	vadd.s32 $0x7A1580, v1;
	[tilespmem:s25], [sflag:$0x1] =	stream.indirect_vreg.gather [hbm4b:s2+s11], $0x1, v3, vm0, $0x4038;
	[tilespmem:$0x1100] =	vst v63  }
0x8a: {  	v3 =	vnsel vm1, $0x7FFFFFFF, v60;
	(ifvalue) =	ssetifvalue $0x7FFFFFFF  }
0x8b: {  	s26 =	sadd.s32 $0x500, s20;
	(ifvalue) =	ssetifvalue $0x7FFFFFFF  }
0x8c: {  	v61 =	vadd.s32 $0x7A1600, v1;
	[tilespmem:s26], [sflag:$0x1] =	stream.indirect_vreg.gather [hbm4b:s2+s11], $0x1, v2, vm0, $0x4038;
	[tilespmem:$0x1100] =	vst v63  }
0x8d: {  	(ifvalue) =	ssetifvalue $0x7FFFFFFF;
	v2 =	vnsel vm1, $0x7FFFFFFF, v61  }
0x8e: {  	s28 =	sadd.s32 $0x580, s20;
	(ifvalue) =	ssetifvalue $0x7FFFFFFF  }
0x8f: {  	v62 =	vadd.s32 $0x7A1680, v1;
	[tilespmem:s28], [sflag:$0x1] =	stream.indirect_vreg.gather [hbm4b:s2+s11], $0x1, v3, vm0, $0x4038;
	[tilespmem:$0x1100] =	vst v63  }
0x90: {  	v3 =	vnsel vm1, $0x7FFFFFFF, v62;
	(ifvalue) =	ssetifvalue $0x7FFFFFFF  }
0x91: {  	s29 =	sadd.s32 $0x600, s20;
	(ifvalue) =	ssetifvalue $0x7FFFFFFF  }
0x92: {  	v63 =	vadd.s32 $0x7A1700, v1;
	[tilespmem:s29], [sflag:$0x1] =	stream.indirect_vreg.gather [hbm4b:s2+s11], $0x1, v2, vm0, $0x4038;
	[tilespmem:$0x1100] =	vst v63  }
0x93: {  	(ifvalue) =	ssetifvalue $0x7FFFFFFF;
	v2 =	vnsel vm1, $0x7FFFFFFF, v63  }
0x94: {  	s31 =	sadd.s32 $0x680, s20;
	(ifvalue) =	ssetifvalue $0x7FFFFFFF  }
0x95: {  	v1 =	vadd.s32 $0x7A1780, v1;
	[tilespmem:s31], [sflag:$0x1] =	stream.indirect_vreg.gather [hbm4b:s2+s11], $0x1, v3, vm0, $0x4038;
	[tilespmem:$0x1100] =	vst v63  }
0x96: {  	s19 =	sadd.s32 $0xFFFFFFF0, s19;
	v1 =	vnsel vm1, $0x7FFFFFFF, v1;
	s30 =	sshll.u32 s12, $0xB;
	(ifvalue) =	ssetifvalue $0x7FFFFFFF  }
0x97: {  	s14 =	sand.u32 $0x800, s30;
	s18 =	sadd.s32 $0x700, s20;
	(ifvalue) =	ssetifvalue $0x7FFFFFFF  }
0x98: {  	[tilespmem:s18], [sflag:$0x1] =	stream.indirect_vreg.gather [hbm4b:s2+s11], $0x1, v2, vm0, $0x4038;
	[tilespmem:$0x1100] =	vst v63  }
0x99: {  	s15 =	sor.u32 $0x100, s14;
	s21 =	simm.s32 $0x80;
	(ifvalue) =	ssetifvalue $0x7FFFFFFF  }
0x9a: {  	s22 =	sadd.s32 $0x780, s20;
	s18 =	simm.s32 $0x10;
	(ifvalue) =	ssetifvalue $0x7FFFFFFF  }
.LBB2_3:
0x9b: {  	[tilespmem:s22], [sflag:$0x1] =	stream.indirect_vreg.gather [hbm4b:s2+s11], $0x1, v1, vm0, $0x4038;
	[tilespmem:$0x1100] =	vst v63  }
0x9c: {  	s20 =	smov.u32 s21  }
0x9d: {  	s23 =	sadd.s32 s18, s16;
	s22 =	sshra.s32 s20, $0x2;
	s20 =	sadd.s32 $0x40, s21  }
0x9e: {  	p1 =	sne.s32 s21, $0x1C0;
	v1 =	vld.msk [tilespmem:s23+$0x0 ss:$0x1], $0xffff  }
0x9f: {  	(ifvalue) =	ssetifvalue $0x7FFFFFFF;
	_ =	sdelay $0x3  }
0xa0: {  	vm1 =	vgt.s32 v1, $0x0  }
0xa1: {  	p2 =	sgt.s32 s19, $0x0;
	s21 =	smov.u32 s19;
	v1 =	vnsel vm1, $0x0, v1  }
0xa2: {  	s21 =	simm.s32 @!p2 $0x0;
	v1 =	vmin.u32 v1, $0xF423F  }
0xa3: {  	s21 =	smin.u32 s21, $0x10;
	v2 =	vshll.u32 v1, $0x3  }
0xa4: {  	v3 =	vmov s21;
	v1 =	vand.u32 $0x7F, v1;
	v2 =	vand.u32 $0x7FFC00, v2  }
0xa5: {  	vm1 =	vgt.u32 v3, v0;
	v1 =	vor.u32 v1, v2  }
0xa6: {  	v2 =	vnsel vm1, $0x7FFFFFFF, v1  }
0xa7: {  	v3 =	vor.u32 $0x80, v1;
	v4 =	vor.u32 $0x100, v1;
	v5 =	vor.u32 $0x180, v1  }
0xa8: {  	v6 =	vor.u32 $0x200, v1;
	v7 =	vor.u32 $0x280, v1;
	v8 =	vor.u32 $0x300, v1  }
0xa9: {  	v9 =	vor.u32 $0x380, v1;
	v10 =	vadd.s32 $0x7A1400, v1;
	v11 =	vadd.s32 $0x7A1480, v1  }
0xaa: {  	v12 =	vadd.s32 $0x7A1500, v1;
	v13 =	vadd.s32 $0x7A1580, v1;
	v3 =	vnsel vm1, $0x7FFFFFFF, v3  }
0xab: {  	s21 =	sadd.s32 s18, s17;
	s18 =	smov.u32 s22;
	v14 =	vadd.s32 $0x7A1600, v1;
	v15 =	vadd.s32 $0x7A1700, v1;
	(ifvalue) =	ssetifvalue $0x7FFFFFFF  }
0xac: {  	[tilespmem:s21], [sflag:$0x1] =	stream.indirect_vreg.gather [hbm4b:s2+s11], $0x1, v2, vm0, $0x4038;
	v2 =	vadd.s32 $0x7A1680, v1;
	v1 =	vadd.s32 $0x7A1780, v1;
	[tilespmem:$0x1100] =	vst v63  }
0xad: {  	v4 =	vnsel vm1, $0x7FFFFFFF, v4;
	(ifvalue) =	ssetifvalue $0x7FFFFFFF  }
0xae: {  	s22 =	sadd.s32 $0x80, s21;
	(ifvalue) =	ssetifvalue $0x7FFFFFFF  }
0xaf: {  	[tilespmem:s22], [sflag:$0x1] =	stream.indirect_vreg.gather [hbm4b:s2+s11], $0x1, v3, vm0, $0x4038;
	[tilespmem:$0x1100] =	vst v63  }
0xb0: {  	v3 =	vnsel vm1, $0x7FFFFFFF, v5;
	(ifvalue) =	ssetifvalue $0x7FFFFFFF  }
0xb1: {  	s22 =	sadd.s32 $0x100, s21;
	(ifvalue) =	ssetifvalue $0x7FFFFFFF  }
0xb2: {  	[tilespmem:s22], [sflag:$0x1] =	stream.indirect_vreg.gather [hbm4b:s2+s11], $0x1, v4, vm0, $0x4038;
	[tilespmem:$0x1100] =	vst v63  }
0xb3: {  	v4 =	vnsel vm1, $0x7FFFFFFF, v6;
	(ifvalue) =	ssetifvalue $0x7FFFFFFF  }
0xb4: {  	s22 =	sadd.s32 $0x180, s21;
	(ifvalue) =	ssetifvalue $0x7FFFFFFF  }
0xb5: {  	[tilespmem:s22], [sflag:$0x1] =	stream.indirect_vreg.gather [hbm4b:s2+s11], $0x1, v3, vm0, $0x4038;
	[tilespmem:$0x1100] =	vst v63  }
0xb6: {  	v3 =	vnsel vm1, $0x7FFFFFFF, v7;
	(ifvalue) =	ssetifvalue $0x7FFFFFFF  }
0xb7: {  	s22 =	sadd.s32 $0x200, s21;
	(ifvalue) =	ssetifvalue $0x7FFFFFFF  }
0xb8: {  	[tilespmem:s22], [sflag:$0x1] =	stream.indirect_vreg.gather [hbm4b:s2+s11], $0x1, v4, vm0, $0x4038;
	[tilespmem:$0x1100] =	vst v63  }
0xb9: {  	v4 =	vnsel vm1, $0x7FFFFFFF, v8;
	(ifvalue) =	ssetifvalue $0x7FFFFFFF  }
0xba: {  	s22 =	sadd.s32 $0x280, s21;
	(ifvalue) =	ssetifvalue $0x7FFFFFFF  }
0xbb: {  	[tilespmem:s22], [sflag:$0x1] =	stream.indirect_vreg.gather [hbm4b:s2+s11], $0x1, v3, vm0, $0x4038;
	[tilespmem:$0x1100] =	vst v63  }
0xbc: {  	v3 =	vnsel vm1, $0x7FFFFFFF, v9;
	(ifvalue) =	ssetifvalue $0x7FFFFFFF  }
0xbd: {  	s22 =	sadd.s32 $0x300, s21;
	(ifvalue) =	ssetifvalue $0x7FFFFFFF  }
0xbe: {  	[tilespmem:s22], [sflag:$0x1] =	stream.indirect_vreg.gather [hbm4b:s2+s11], $0x1, v4, vm0, $0x4038;
	[tilespmem:$0x1100] =	vst v63  }
0xbf: {  	v4 =	vnsel vm1, $0x7FFFFFFF, v10;
	(ifvalue) =	ssetifvalue $0x7FFFFFFF  }
0xc0: {  	s22 =	sadd.s32 $0x380, s21;
	(ifvalue) =	ssetifvalue $0x7FFFFFFF  }
0xc1: {  	[tilespmem:s22], [sflag:$0x1] =	stream.indirect_vreg.gather [hbm4b:s2+s11], $0x1, v3, vm0, $0x4038;
	[tilespmem:$0x1100] =	vst v63  }
0xc2: {  	v3 =	vnsel vm1, $0x7FFFFFFF, v11;
	(ifvalue) =	ssetifvalue $0x7FFFFFFF  }
0xc3: {  	s22 =	sadd.s32 $0x400, s21;
	(ifvalue) =	ssetifvalue $0x7FFFFFFF  }
0xc4: {  	[tilespmem:s22], [sflag:$0x1] =	stream.indirect_vreg.gather [hbm4b:s2+s11], $0x1, v4, vm0, $0x4038;
	[tilespmem:$0x1100] =	vst v63  }
0xc5: {  	v4 =	vnsel vm1, $0x7FFFFFFF, v12;
	(ifvalue) =	ssetifvalue $0x7FFFFFFF  }
0xc6: {  	s22 =	sadd.s32 $0x480, s21;
	(ifvalue) =	ssetifvalue $0x7FFFFFFF  }
0xc7: {  	[tilespmem:s22], [sflag:$0x1] =	stream.indirect_vreg.gather [hbm4b:s2+s11], $0x1, v3, vm0, $0x4038;
	[tilespmem:$0x1100] =	vst v63  }
0xc8: {  	v3 =	vnsel vm1, $0x7FFFFFFF, v13;
	(ifvalue) =	ssetifvalue $0x7FFFFFFF  }
0xc9: {  	s22 =	sadd.s32 $0x500, s21;
	(ifvalue) =	ssetifvalue $0x7FFFFFFF  }
0xca: {  	[tilespmem:s22], [sflag:$0x1] =	stream.indirect_vreg.gather [hbm4b:s2+s11], $0x1, v4, vm0, $0x4038;
	[tilespmem:$0x1100] =	vst v63  }
0xcb: {  	v4 =	vnsel vm1, $0x7FFFFFFF, v14;
	(ifvalue) =	ssetifvalue $0x7FFFFFFF  }
0xcc: {  	s22 =	sadd.s32 $0x580, s21;
	(ifvalue) =	ssetifvalue $0x7FFFFFFF  }
0xcd: {  	[tilespmem:s22], [sflag:$0x1] =	stream.indirect_vreg.gather [hbm4b:s2+s11], $0x1, v3, vm0, $0x4038;
	[tilespmem:$0x1100] =	vst v63  }
0xce: {  	v2 =	vnsel vm1, $0x7FFFFFFF, v2;
	(ifvalue) =	ssetifvalue $0x7FFFFFFF  }
0xcf: {  	s22 =	sadd.s32 $0x600, s21;
	(ifvalue) =	ssetifvalue $0x7FFFFFFF  }
0xd0: {  	[tilespmem:s22], [sflag:$0x1] =	stream.indirect_vreg.gather [hbm4b:s2+s11], $0x1, v4, vm0, $0x4038;
	[tilespmem:$0x1100] =	vst v63  }
0xd1: {  	v3 =	vnsel vm1, $0x7FFFFFFF, v15;
	(ifvalue) =	ssetifvalue $0x7FFFFFFF  }
0xd2: {  	s22 =	sadd.s32 $0x680, s21;
	(ifvalue) =	ssetifvalue $0x7FFFFFFF  }
0xd3: {  	[tilespmem:s22], [sflag:$0x1] =	stream.indirect_vreg.gather [hbm4b:s2+s11], $0x1, v2, vm0, $0x4038;
	[tilespmem:$0x1100] =	vst v63  }
.Ltmp3:
0xd4: {  	v1 =	vnsel vm1, $0x7FFFFFFF, v1;
	(ifvalue) =	ssetifvalue $0x7FFFFFFF;
	(pc) =	sbr.rel @p1 .LBB2_3-.Ltmp3, $4  }
0xd5: {  	s22 =	sadd.s32 $0x700, s21;
	(ifvalue) =	ssetifvalue $0x7FFFFFFF  }
0xd6: {  	[tilespmem:s22], [sflag:$0x1] =	stream.indirect_vreg.gather [hbm4b:s2+s11], $0x1, v3, vm0, $0x4038;
	[tilespmem:$0x1100] =	vst v63  }
0xd7: {  	s19 =	sadd.s32 $0xFFFFFFF0, s19;
	(ifvalue) =	ssetifvalue $0x7FFFFFFF  }
0xd8: {  	s22 =	sadd.s32 $0x780, s21;
	s21 =	smov.u32 s20;
	(ifvalue) =	ssetifvalue $0x7FFFFFFF  }
.Ltmp4:
0xd9: {  	_ = 	snop;
	(pc) =	sbr.rel .LBB2_4-.Ltmp4, $1  }
0xda: {  	_ =	sdelay $0x3  }
.LBB2_6:
0xdb: {  	_ =	sfence.sel $0x180000  }
0xdc: {  	s2 =	simm.s32 $0x2;
	[bflag:$0x0] =	sbarrier.arrive $0xFFFF  }
0xdd: {  	s30 =	simm.s32 $0x3;
	[sflag:s2] =	ssyncpa.u1 $0x1  }
0xde: {  	s31 =	simm.s32 $0x1;
	[sflag:s30] =	ssyncpa.u1 $0x1  }
0xdf: {  	[sflag:s31] =	ssyncpa.u1 $0x1  }
0xe0: {  	p0 =	sne.s32 s0, $0x0;
	_ =	strace $0x90000047  }
0xe1: {  	s0 =	sadd.s32 @!p0 $0x100000, s1;
	[bflag:$0x2] =	sbarrier.arrive $0xFFFF  }
0xe2: {  	[sflag:s0] =	ssyncadd.tile.s32 @!p0 $0x1;
	_ =	shalt  }
.Lfunc_end2:
_tile_overlayer_lowered:
.L_overlay_start_2:
0xe3: {  	(tag) =	ssettag $0x2  }
0xe4: {  	s0 =	rddreg [dreg:$0x0];
	s2 =	stileid.u32  }
0xe5: {  	s1 =	rddreg [dreg:$0x1];
	p0 =	sne.s32 s2, $0x0  }
0xe6: {  	s3 =	rddreg [dreg:$0x2];
	[bflag:$0x3] =	sbarrier.arrive $0xFFFF;
	s2 =	simm.s32 @!p0 $0x1C01  }
0xe7: {  	[timem:s3], [sflag:s2] =	dma.local @!p0 [hbm:s0], s1  }
0xe8: {  	s0 =	simm.s32 @!p0 $0x1  }
0xe9: {  	_ =	swait.ge @!p0 [sflag:s0], s1  }
0xea: {  	s1 =	ssub.s32 @!p0 $0x0, s1;
	[sflag:s0] =	ssyncset.done @!p0 $0x0  }
0xeb: {  	[sflag:s0] =	ssyncadd.s32 @!p0 s1  }
0xec: {  	[bflag:$0x3] =	sbarrier.arrive $0xFFFF  }
0xed: {  	_ =	shalt  }

// kernel: gather_offload_async_start.2
scs
__scs_entry_jumppad:
0x0: {  	(pc) =	sbr.rel $0x88, $3  }
0x1: {  	(tag) =	ssettag $0x0;
	lr =	simm.s32 $0x1  }
0x2: {  	[smem:$0x3F9D] =	sst lr;
	_ =	strace $0xD0000000  }
0x3: {  	_ = 	snop  }
0x4: {  	_ = 	snop  }
0x5: {  	_ = 	snop  }
0x6: {  	_ = 	snop  }
0x7: {  	_ = 	snop  }
__scs_overlays_trampoline_lowered:
0x8: {  	[smem:$0x3FAC] =	sst s0  }
0x9: {  	[smem:$0x3FAD] =	sst s1  }
0xa: {  	[smem:$0x3FAE] =	sst s2  }
0xb: {  	[smem:$0x3FAF] =	sst s3  }
0xc: {  	[smem:$0x3FB0] =	sst s4  }
0xd: {  	[smem:$0x3FB1] =	sst s5  }
0xe: {  	[smem:$0x3FB2] =	sst s6  }
0xf: {  	[smem:$0x3FB3] =	sst s7  }
0x10: {  	[smem:$0x3FB4] =	sst s8  }
0x11: {  	[smem:$0x3FB5] =	sst s9;
	s0 =	simm.s32 @!p0 $0x0  }
0x12: {  	s1 =	sld [smem:$0x3F9B];
	s0 =	simm.s32 @p0 $0x1  }
0x13: {  	[smem:$0x3FB6] =	sst s0;
	s0 =	simm.s32 @!p1 $0x0  }
0x14: {  	s2 =	sld [smem:$0x3F9A];
	s0 =	simm.s32 @p1 $0x1  }
0x15: {  	[smem:$0x3FB7] =	sst s0;
	s0 =	simm.s32 @!p2 $0x0  }
0x16: {  	s3 =	sld [smem:$0x3FDB];
	s0 =	simm.s32 @p2 $0x1  }
0x17: {  	s4 =	simm.s32 $0x1BF5;
	[smem:$0x3FB9] =	sst s0  }
0x18: {  	s0 =	sld [smem:$0x3F9C];
	_ =	swait.ge [sflag:s4], $0x0  }
0x19: {  	s7 =	sld [smem:$0x3F9D]  }
0x1a: {  	s8 =	sadd.s32 $0xFFFFE003, lr  }
0x1b: {  	s9 =	sadd.s32 $0xFFFFFEF7, lr;
	s5 =	simm.s32 $0xFFFFFFFF;
	p2 =	slt.u32 s8, $0xFFFFF086  }
0x1c: {  	p1 =	slt.u32 s9, $0xF7A;
	s5 =	simm.s32 @!p2 $0x0  }
0x1d: {  	s5 =	simm.s32 @p1 $0x1;
	p0 =	seq.s32 s7, s2  }
0x1e: {  	s7 =	smul.u32 @!p0 $0xF7A, s2;
	p2 =	seq.s32 @!p0 s5, $0x0  }
0x1f: {  	s9 =	smul.u32 $0xF7A, s1;
	s8 =	simm.s32 @!p0 $0x1BF5;
	p2 =	por !p2, p0  }
0x20: {  	[sflag:s8] =	ssyncset.s32 @!p0 $0xFFFFF086;
	s6 =	sadd.s32 @!p0 s3, s7;
	s7 =	simm.s32 @!p0 $0x108  }
0x21: {  	s3 =	sadd.s32 s3, s9;
	s6 =	sadd.s32 @!p0 $0x88, s6;
	s7 =	simm.s32 @p2 $0x1082  }
0x22: {  	[simem:s7], [sflag:s8] =	dma.local @!p0 [hbm:s6], $0xF7A  }
0x23: {  	s9 =	sor.u32 $0xD0000000, s2;
	s6 =	simm.s32 $0x108;
	_ =	swait.ge @!p0 [sflag:s8], $0x0  }
0x24: {  	s3 =	sadd.s32 $0x88, s3;
	s6 =	simm.s32 @!p1 $0x1082;
	[sflag:s4] =	ssyncset.s32 $0xFFFFF086  }
0x25: {  	[simem:s6], [sflag:s4] =	dma.local [hbm:s3], $0xF7A  }
0x26: {  	[smem:$0x3F9D] =	sst s1;
	(tag) =	ssettag s2;
	_ =	strace s9  }
0x27: {  	s1 =	sld [smem:$0x3FAD]  }
0x28: {  	s2 =	sld [smem:$0x3FAE]  }
0x29: {  	s4 =	sld [smem:$0x3FB0]  }
0x2a: {  	p0 =	seq.s32 s5, $0x0;
	s5 =	sld [smem:$0x3FB1]  }
0x2b: {  	s6 =	sld [smem:$0x3FB2]  }
0x2c: {  	s7 =	sld [smem:$0x3FB3]  }
0x2d: {  	s3 =	simm.s32 $0x108;
	s8 =	sld [smem:$0x3FB4]  }
0x2e: {  	s3 =	simm.s32 @!p0 $0x1082;
	s9 =	sld [smem:$0x3FB5]  }
0x2f: {  	lr =	sadd.s32 s0, s3;
	s0 =	sld [smem:$0x3FAC]  }
0x30: {  	s3 =	sld [smem:$0x3FAF]  }
0x31: {  	[smem:$0x3FB8] =	sst s10  }
0x32: {  	s10 =	sld [smem:$0x3FB6];
	_ =	sdelay $0x3  }
0x33: {  	p0 =	seq.s32 s10, $0x1;
	s10 =	sld [smem:$0x3FB8];
	_ =	sdelay $0x3  }
0x34: {  	[smem:$0x3FB8] =	sst s10  }
0x35: {  	s10 =	sld [smem:$0x3FB7];
	_ =	sdelay $0x3  }
0x36: {  	p1 =	seq.s32 s10, $0x1;
	s10 =	sld [smem:$0x3FB8];
	_ =	sdelay $0x3  }
0x37: {  	[smem:$0x3FB8] =	sst s10  }
0x38: {  	s10 =	sld [smem:$0x3FB9]  }
0x39: {  	_ = 	snop;
	(pc) =	sbr.ind lr, $3  }
0x3a: {  	_ = 	snop  }
0x3b: {  	_ = 	snop  }
0x3c: {  	p2 =	seq.s32 s10, $0x1;
	s10 =	sld [smem:$0x3FB8]  }
0x3d: {  	_ =	shalt  }
0x3e: {  	_ =	shalt  }
0x3f: {  	_ =	shalt  }
0x40: {  	_ =	shalt  }
0x41: {  	_ =	shalt  }
0x42: {  	_ =	shalt  }
0x43: {  	_ =	shalt  }
0x44: {  	_ =	shalt  }
0x45: {  	_ =	shalt  }
0x46: {  	_ =	shalt  }
0x47: {  	_ =	shalt  }
0x48: {  	_ =	shalt  }
0x49: {  	_ =	shalt  }
0x4a: {  	_ =	shalt  }
0x4b: {  	_ =	shalt  }
0x4c: {  	_ =	shalt  }
0x4d: {  	_ =	shalt  }
0x4e: {  	_ =	shalt  }
0x4f: {  	_ =	shalt  }
0x50: {  	_ =	shalt  }
0x51: {  	_ =	shalt  }
0x52: {  	_ =	shalt  }
0x53: {  	_ =	shalt  }
0x54: {  	_ =	shalt  }
0x55: {  	_ =	shalt  }
0x56: {  	_ =	shalt  }
0x57: {  	_ =	shalt  }
0x58: {  	_ =	shalt  }
0x59: {  	_ =	shalt  }
0x5a: {  	_ =	shalt  }
0x5b: {  	_ =	shalt  }
0x5c: {  	_ =	shalt  }
0x5d: {  	_ =	shalt  }
0x5e: {  	_ =	shalt  }
0x5f: {  	_ =	shalt  }
0x60: {  	_ =	shalt  }
0x61: {  	_ =	shalt  }
0x62: {  	_ =	shalt  }
0x63: {  	_ =	shalt  }
0x64: {  	_ =	shalt  }
0x65: {  	_ =	shalt  }
0x66: {  	_ =	shalt  }
0x67: {  	_ =	shalt  }
0x68: {  	_ =	shalt  }
0x69: {  	_ =	shalt  }
0x6a: {  	_ =	shalt  }
0x6b: {  	_ =	shalt  }
0x6c: {  	_ =	shalt  }
0x6d: {  	_ =	shalt  }
0x6e: {  	_ =	shalt  }
0x6f: {  	_ =	shalt  }
0x70: {  	_ =	shalt  }
0x71: {  	_ =	shalt  }
0x72: {  	_ =	shalt  }
0x73: {  	_ =	shalt  }
0x74: {  	_ =	shalt  }
0x75: {  	_ =	shalt  }
0x76: {  	_ =	shalt  }
0x77: {  	_ =	shalt  }
0x78: {  	_ =	shalt  }
0x79: {  	_ =	shalt  }
0x7a: {  	_ =	shalt  }
0x7b: {  	_ =	shalt  }
0x7c: {  	_ =	shalt  }
0x7d: {  	_ =	shalt  }
0x7e: {  	_ =	shalt  }
0x7f: {  	_ =	shalt  }
0x80: {  	_ =	shalt  }
0x81: {  	_ =	shalt  }
0x82: {  	_ =	shalt  }
0x83: {  	_ =	shalt  }
0x84: {  	_ =	shalt  }
0x85: {  	_ =	shalt  }
0x86: {  	_ =	shalt  }
0x87: {  	_ =	shalt  }
.Lfunc_end0:
.L_simem_size_0:
called_computation.2_lowered:
.L_overlay_start_0:
0x88: {  	s2 =	sld [smem:$0x3FD9]  }
0x89: {  	s3 =	sld [smem:$0x3FFE];
	_ =	sdelay $0x1  }
0x8a: {  	s1 =	srdreg.scid  }
0x8b: {  	s0 =	sand.u32 $0x1, s1  }
0x8c: {  	s17 =	sshll.u32 s0, $0xA;
	s2 =	sadd.s32 s3, s2  }
0x8d: {  	s2 =	sadd.s32 s2, s17  }
0x8e: {  	[smem:$0x3FC4] =	sst s2  }
0x8f: {  	_ = 	snop  }
0x90: {  	s18 =	sld [smem:$0x3FC6];
	(tm) =	ssettm $0x1  }
0x91: {  	s19 =	sld [smem:$0x3FFB];
	_ =	sdelay $0x3  }
0x92: {  	_ =	strace s19  }
0x93: {  	s2 =	sld [smem:$0x3FFC];
	_ =	sdelay $0x3  }
0x94: {  	_ =	strace s2  }
0x95: {  	s2 =	sld [smem:$0x3FFD];
	_ =	sdelay $0x3  }
0x96: {  	_ =	strace s2  }
0x97: {  	_ =	strace $0x8FFFFFFF  }
0x98: {  	s20 =	sld [smem:$0x3FDB];
	_ =	sdelay $0x1  }
0x99: {  	s4 =	simm.s32 $_scs_section_size  }
0x9a: {  	s5 =	simm.s32 $_size__tile_overlayer_lowered;
	s6 =	simm.s32 $_tile_overlayer_lowered  }
0x9b: {  	s7 =	simm.s32 $0x1BFF;
	s21 =	sshll.u32 s6, $0x1;
	s4 =	sadd.s32 s4, s20  }
0x9c: {  	s22 =	simm.s32 $0x0;
	s5 =	sshll.u32 s5, $0x1;
	s6 =	sadd.s32 s21, s4  }
0x9d: {  	[timem:s22], [sflag:s7] =	dma.local [hbm:s6], s5  }
0x9e: {  	_ =	swait.ge [sflag:s7], s5  }
0x9f: {  	s5 =	ssub.s32 $0x0, s5;
	[sflag:s7] =	ssyncset.done $0x0  }
0xa0: {  	[sflag:s7] =	ssyncadd.s32 s5;
	_ =	sdelay $0x1  }
0xa1: {  	s23 =	simm.s32 $0x1B8B  }
0xa2: {  	_ =	swait.ge [sflag:s23], $0x1  }
0xa3: {  	[sflag:s23] =	ssyncset.done $0x0  }
0xa4: {  	[sflag:s23] =	ssyncadd.s32 $0xFFFFFFFF  }
0xa5: {  	s5 =	sld [smem:$0x0]  }
0xa6: {  	s6 =	sand.u32 $0xFFFFFFFE, s1  }
0xa7: {  	p0 =	sne.s32 s1, s6  }
0xa8: {  	s6 =	sshll.u32 @p0 s6, $0xE  }
0xa9: {  	s6 =	sadd.s32 @p0 $0x11B8D, s6;
	s7 =	sshll.u32 @p0 s5, $0x11  }
0xaa: {  	s6 =	sor.u32 @p0 s7, s6  }
0xab: {  	[sflag:s6] =	ssyncadd.remote.s32 @p0 $0x1;
	_ =	sdelay $0x1  }
0xac: {  	s6 =	simm.s32 @p0 $0x1B8D  }
0xad: {  	_ =	swait.eq @p0 [sflag:s6], $0x1  }
0xae: {  	[sflag:s6] =	ssyncadd.s32 @p0 $0xFFFFFFFF  }
0xaf: {  	s7 =	sshll.u32 @!p0 s1, $0xE  }
0xb0: {  	s7 =	sor.u32 @!p0 $0x4000, s7;
	s6 =	simm.s32 @!p0 $0x1B8D  }
0xb1: {  	s5 =	sshll.u32 @!p0 s5, $0x11;
	s7 =	sadd.s32 @!p0 $0x11B8D, s7;
	_ =	swait.eq @!p0 [sflag:s6], $0x1  }
0xb2: {  	s5 =	sor.u32 @!p0 s5, s7;
	[sflag:s6] =	ssyncadd.s32 @!p0 $0xFFFFFFFF  }
0xb3: {  	s25 =	simm.s32 $0x1B8E;
	s24 =	sld [smem:$0x3FFE];
	[sflag:s5] =	ssyncadd.remote.s32 @!p0 $0x1  }
0xb4: {  	s26 =	simm.s32 $execute0_lowered;
	[smem:$0x3FD2] =	sst s25  }
0xb5: {  	s6 =	sshll.u32 s26, $0x1;
	_ =	strace $0x80000049;
	[dreg:$0x1] =	wrdreg $0xFFFFFFFF  }
0xb6: {  	s28 =	simm.s32 $_size_execute0_lowered;
	s4 =	sadd.s32 s4, s6;
	[dreg:$0x0] =	wrdreg $0x0  }
0xb7: {  	s6 =	sshll.u32 s28, $0x1;
	[dreg:$0x2] =	wrdreg s4  }
0xb8: {  	[dreg:$0x3] =	wrdreg s6  }
0xb9: {  	[dreg:$0x4] =	wrdreg $0xC0  }
0xba: {  	_ =	task [dreg:s22], $0x5FFFF  }
0xbb: {  	[dreg:$0x1] =	wrdreg $0xFFFFFFFF  }
0xbc: {  	[dreg:$0x0] =	wrdreg $0x60  }
0xbd: {  	[dreg:$0x2] =	wrdreg s18  }
0xbe: {  	[dreg:$0x3] =	wrdreg s24  }
0xbf: {  	[dreg:$0x4] =	wrdreg $0xB  }
0xc0: {  	_ =	task.clear_ibuf [dreg:s22], $0x5FFFF;
	_ =	strace $0x90000049  }
0xc1: {  	s29 =	simm.s32 $0xB;
	_ =	strace $0x8000004B  }
0xc2: {  	_ =	swait.ge [sflag:s29], $0x1  }
0xc3: {  	[sflag:s29] =	ssyncadd.s32 $0xFFFFFFFF  }
0xc4: {  	_ =	strace $0x9000004B  }
0xc5: {  	_ =	sfence  }
0xc6: {  	s30 =	sld [smem:$0x0];
	_ =	sdelay $0x2  }
0xc7: {  	s31 =	sshll.u32 s1, $0xD;
	s1 =	sshrl.u32 s1, $0x2  }
0xc8: {  	s4 =	sand.u32 $0x4000, s31;
	s1 =	sadd.s32 s1, s30  }
0xc9: {  	s0 =	sor.u32 s4, s0;
	s1 =	sshll.u32 s1, $0x11  }
0xca: {  	s0 =	sor.u32 s1, s0  }
0xcb: {  	s0 =	sadd.s32 $0x8F2B, s0  }
0xcc: {  	[sflag:s0] =	ssyncadd.remote.s32 $0x1  }
0xcd: {  	_ =	sfence.sel $0xFFFF  }
0xce: {  	[dreg:$0x0] =	wrdreg $0xFFFFFFFF;
	(pc) =	sbr.abs _section_cstart, $3  }
0xcf: {  	[dreg:$0x1] =	wrdreg $0xFFFFFFFF  }
0xd0: {  	_ =	task.clear_ibuf [dreg:s22], $0x2FFFF;
	_ =	strace $0x9FFFFFFF  }
0xd1: {  	(tm) =	ssettm $0x7FFFFFFF  }
tec
execute0_lowered:
.L_overlay_start_1:
0x0: {  	(tag) =	ssettag $0x1  }
0x1: {  	s1 =	srdreg.scid;
	s2 =	rddreg [dreg:$0x0]  }
0x2: {  	s0 =	stileid.u32;
	s10 =	rddreg [dreg:$0x1]  }
0x3: {  	s5 =	simm.s32 $0x2;
	s6 =	simm.s32 $0x3;
	s1 =	sshll.u32 s1, $0x7  }
0x4: {  	s11 =	simm.s32 $0x0;
	s3 =	sshll.u32 s0, $0x8;
	s4 =	sand.u32 $0x80, s1  }
0x5: {  	s13 =	simm.s32 $0x0;
	s12 =	simm.s32 $0x0;
	s3 =	sor.u32 s3, s4  }
0x6: {  	s8 =	sadd.s32 $0x1600, s10;
	s1 =	rddreg [dreg:$0x2];
	s4 =	sshrl.u32 s3, $0x3  }
0x7: {  	_ =	strace $0x8000004A;
	s7 =	ssub.s32 $0x480, s3;
	s9 =	sadd.s32 s4, s10  }
.Ltmp0:
0x8: {  	s4 =	simm.s32 $0x1;
	p0 =	sgt.s32 s7, $0x0;
	(pc) =	sbr.rel .LBB2_1-.Ltmp0, $4  }
0x9: {  	s10 =	sadd.s32 $0x1A80, s10;
	[sflag:s4] =	ssyncpa.u1 $0x0;
	s7 =	simm.s32 @!p0 $0x0  }
0xa: {  	s9 =	sadd.s32 $0xA00, s9;
	[sflag:s5] =	ssyncpa.u1 $0x0;
	s7 =	sand.u32 $0xF80, s7  }
0xb: {  	[sflag:s6] =	ssyncpa.u1 $0x0;
	p0 =	sne.s32 s7, $0x0;
	s7 =	simm.s32 $0x1  }
0xc: {  	vm0 =	vmmov $0xffff;
	v0 =	vlaneseq.u32;
	s7 =	simm.s32 @!p0 $0x0;
	s6 =	simm.s32 @!p0 $0x2;
	p0 =	por $0x0, $0x0  }
.LBB2_4:
0xd: {  	_ =	sdelay $0x3  }
0xe: {  	[tilespmem:s22], [sflag:$0x1] =	stream.indirect_vreg.gather [hbm4b:s2+s11], $0x1, v1, vm0, $0x4038;
	[tilespmem:$0x1100] =	vst v63  }
0xf: {  	s16 =	sadd.s32 s18, s16  }
0x10: {  	v1 =	vld.msk [tilespmem:s16+$0x0 ss:$0x1], $0xffff;
	_ =	sdelay $0x4  }
0x11: {  	vm1 =	vgt.s32 v1, $0x0  }
0x12: {  	p1 =	sgt.s32 s19, $0x0;
	v1 =	vnsel vm1, $0x0, v1  }
0x13: {  	s19 =	simm.s32 @!p1 $0x0;
	v1 =	vmin.u32 v1, $0xF423F  }
0x14: {  	s28 =	smin.u32 s19, $0x10;
	v2 =	vshll.u32 v1, $0x3  }
0x15: {  	v3 =	vmov s28;
	v1 =	vand.u32 $0x7F, v1;
	v2 =	vand.u32 $0x7FFC00, v2  }
0x16: {  	vm1 =	vgt.u32 v3, v0;
	v1 =	vor.u32 v1, v2  }
0x17: {  	v2 =	vnsel vm1, $0x7FFFFFFF, v1;
	_ =	sdelay $0x1  }
0x18: {  	v3 =	vor.u32 $0x80, v1  }
0x19: {  	(ifvalue) =	ssetifvalue $0x7FFFFFFF;
	v3 =	vnsel vm1, $0x7FFFFFFF, v3  }
0x1a: {  	s16 =	sadd.s32 s18, s17;
	(ifvalue) =	ssetifvalue $0x7FFFFFFF  }
0x1b: {  	v4 =	vor.u32 $0x100, v1;
	[tilespmem:s16], [sflag:$0x1] =	stream.indirect_vreg.gather [hbm4b:s2+s11], $0x1, v2, vm0, $0x4038;
	[tilespmem:$0x1100] =	vst v63  }
0x1c: {  	(ifvalue) =	ssetifvalue $0x7FFFFFFF;
	v2 =	vnsel vm1, $0x7FFFFFFF, v4  }
0x1d: {  	s17 =	sadd.s32 $0x80, s16;
	(ifvalue) =	ssetifvalue $0x7FFFFFFF  }
0x1e: {  	v52 =	vor.u32 $0x180, v1;
	[tilespmem:s17], [sflag:$0x1] =	stream.indirect_vreg.gather [hbm4b:s2+s11], $0x1, v3, vm0, $0x4038;
	[tilespmem:$0x1100] =	vst v63  }
0x1f: {  	v3 =	vnsel vm1, $0x7FFFFFFF, v52;
	(ifvalue) =	ssetifvalue $0x7FFFFFFF  }
0x20: {  	s29 =	sadd.s32 $0x100, s16;
	(ifvalue) =	ssetifvalue $0x7FFFFFFF  }
0x21: {  	v53 =	vor.u32 $0x200, v1;
	[tilespmem:s29], [sflag:$0x1] =	stream.indirect_vreg.gather [hbm4b:s2+s11], $0x1, v2, vm0, $0x4038;
	[tilespmem:$0x1100] =	vst v63  }
0x22: {  	(ifvalue) =	ssetifvalue $0x7FFFFFFF;
	v2 =	vnsel vm1, $0x7FFFFFFF, v53  }
0x23: {  	s30 =	sadd.s32 $0x180, s16;
	(ifvalue) =	ssetifvalue $0x7FFFFFFF  }
0x24: {  	v54 =	vor.u32 $0x280, v1;
	[tilespmem:s30], [sflag:$0x1] =	stream.indirect_vreg.gather [hbm4b:s2+s11], $0x1, v3, vm0, $0x4038;
	[tilespmem:$0x1100] =	vst v63  }
0x25: {  	v3 =	vnsel vm1, $0x7FFFFFFF, v54;
	(ifvalue) =	ssetifvalue $0x7FFFFFFF  }
0x26: {  	s31 =	sadd.s32 $0x200, s16;
	(ifvalue) =	ssetifvalue $0x7FFFFFFF  }
0x27: {  	v55 =	vor.u32 $0x300, v1;
	[tilespmem:s31], [sflag:$0x1] =	stream.indirect_vreg.gather [hbm4b:s2+s11], $0x1, v2, vm0, $0x4038;
	[tilespmem:$0x1100] =	vst v63  }
0x28: {  	(ifvalue) =	ssetifvalue $0x7FFFFFFF;
	v2 =	vnsel vm1, $0x7FFFFFFF, v55  }
0x29: {  	s18 =	sadd.s32 $0x280, s16;
	(ifvalue) =	ssetifvalue $0x7FFFFFFF  }
0x2a: {  	v56 =	vor.u32 $0x380, v1;
	[tilespmem:s18], [sflag:$0x1] =	stream.indirect_vreg.gather [hbm4b:s2+s11], $0x1, v3, vm0, $0x4038;
	[tilespmem:$0x1100] =	vst v63  }
0x2b: {  	v3 =	vnsel vm1, $0x7FFFFFFF, v56;
	(ifvalue) =	ssetifvalue $0x7FFFFFFF  }
0x2c: {  	s19 =	sadd.s32 $0x300, s16;
	(ifvalue) =	ssetifvalue $0x7FFFFFFF  }
0x2d: {  	v57 =	vadd.s32 $0x7A1400, v1;
	[tilespmem:s19], [sflag:$0x1] =	stream.indirect_vreg.gather [hbm4b:s2+s11], $0x1, v2, vm0, $0x4038;
	[tilespmem:$0x1100] =	vst v63  }
0x2e: {  	(ifvalue) =	ssetifvalue $0x7FFFFFFF;
	v2 =	vnsel vm1, $0x7FFFFFFF, v57  }
0x2f: {  	s20 =	sadd.s32 $0x380, s16;
	(ifvalue) =	ssetifvalue $0x7FFFFFFF  }
0x30: {  	v58 =	vadd.s32 $0x7A1480, v1;
	[tilespmem:s20], [sflag:$0x1] =	stream.indirect_vreg.gather [hbm4b:s2+s11], $0x1, v3, vm0, $0x4038;
	[tilespmem:$0x1100] =	vst v63  }
0x31: {  	v3 =	vnsel vm1, $0x7FFFFFFF, v58;
	(ifvalue) =	ssetifvalue $0x7FFFFFFF  }
0x32: {  	s21 =	sadd.s32 $0x400, s16;
	(ifvalue) =	ssetifvalue $0x7FFFFFFF  }
0x33: {  	v59 =	vadd.s32 $0x7A1500, v1;
	[tilespmem:s21], [sflag:$0x1] =	stream.indirect_vreg.gather [hbm4b:s2+s11], $0x1, v2, vm0, $0x4038;
	[tilespmem:$0x1100] =	vst v63  }
0x34: {  	(ifvalue) =	ssetifvalue $0x7FFFFFFF;
	v2 =	vnsel vm1, $0x7FFFFFFF, v59  }
0x35: {  	s22 =	sadd.s32 $0x480, s16;
	(ifvalue) =	ssetifvalue $0x7FFFFFFF  }
0x36: {  	v60 =	vadd.s32 $0x7A1580, v1;
	[tilespmem:s22], [sflag:$0x1] =	stream.indirect_vreg.gather [hbm4b:s2+s11], $0x1, v3, vm0, $0x4038;
	[tilespmem:$0x1100] =	vst v63  }
0x37: {  	v3 =	vnsel vm1, $0x7FFFFFFF, v60;
	(ifvalue) =	ssetifvalue $0x7FFFFFFF  }
0x38: {  	s23 =	sadd.s32 $0x500, s16;
	(ifvalue) =	ssetifvalue $0x7FFFFFFF  }
0x39: {  	v61 =	vadd.s32 $0x7A1600, v1;
	[tilespmem:s23], [sflag:$0x1] =	stream.indirect_vreg.gather [hbm4b:s2+s11], $0x1, v2, vm0, $0x4038;
	[tilespmem:$0x1100] =	vst v63  }
0x3a: {  	(ifvalue) =	ssetifvalue $0x7FFFFFFF;
	v2 =	vnsel vm1, $0x7FFFFFFF, v61  }
0x3b: {  	s24 =	sadd.s32 $0x580, s16;
	(ifvalue) =	ssetifvalue $0x7FFFFFFF  }
0x3c: {  	v62 =	vadd.s32 $0x7A1680, v1;
	[tilespmem:s24], [sflag:$0x1] =	stream.indirect_vreg.gather [hbm4b:s2+s11], $0x1, v3, vm0, $0x4038;
	[tilespmem:$0x1100] =	vst v63  }
0x3d: {  	v3 =	vnsel vm1, $0x7FFFFFFF, v62;
	(ifvalue) =	ssetifvalue $0x7FFFFFFF  }
0x3e: {  	s25 =	sadd.s32 $0x600, s16;
	(ifvalue) =	ssetifvalue $0x7FFFFFFF  }
0x3f: {  	v63 =	vadd.s32 $0x7A1700, v1;
	[tilespmem:s25], [sflag:$0x1] =	stream.indirect_vreg.gather [hbm4b:s2+s11], $0x1, v2, vm0, $0x4038;
	[tilespmem:$0x1100] =	vst v63  }
0x40: {  	(ifvalue) =	ssetifvalue $0x7FFFFFFF;
	v2 =	vnsel vm1, $0x7FFFFFFF, v63  }
0x41: {  	s26 =	sadd.s32 $0x680, s16;
	(ifvalue) =	ssetifvalue $0x7FFFFFFF  }
0x42: {  	v1 =	vadd.s32 $0x7A1780, v1;
	[tilespmem:s26], [sflag:$0x1] =	stream.indirect_vreg.gather [hbm4b:s2+s11], $0x1, v3, vm0, $0x4038;
	[tilespmem:$0x1100] =	vst v63  }
0x43: {  	v1 =	vnsel vm1, $0x7FFFFFFF, v1;
	(ifvalue) =	ssetifvalue $0x7FFFFFFF  }
0x44: {  	s28 =	sadd.s32 $0x700, s16;
	(ifvalue) =	ssetifvalue $0x7FFFFFFF  }
0x45: {  	[tilespmem:s28], [sflag:$0x1] =	stream.indirect_vreg.gather [hbm4b:s2+s11], $0x1, v2, vm0, $0x4038;
	[tilespmem:$0x1100] =	vst v63  }
0x46: {  	(ifvalue) =	ssetifvalue $0x7FFFFFFF  }
0x47: {  	s16 =	sadd.s32 $0x780, s16;
	s29 =	sshll.u32 s13, $0x3;
	(ifvalue) =	ssetifvalue $0x7FFFFFFF  }
0x48: {  	[tilespmem:s16], [sflag:$0x1] =	stream.indirect_vreg.gather [hbm4b:s2+s11], $0x1, v1, vm0, $0x4038;
	[tilespmem:$0x1100] =	vst v63  }
0x49: {  	s30 =	sand.u32 $0x78, s13;
	s16 =	sand.u32 $0x7FFFFC00, s29  }
0x4a: {  	_ =	swait.ge [sflag:s4], $0x800;
	s13 =	sor.u32 s30, s16  }
0x4b: {  	[sflag:s4] =	ssyncset.done $0x0;
	s13 =	sshrl.u32 s13, $0x3  }
0x4c: {  	[sflag:s4] =	ssyncadd.s32 $0xFFFFF800;
	s31 =	sadd.s32 s8, s13  }
0x4d: {  	[hbm:s31] =	stream.linear.scatter [tilespmem:s15], [sflag:$0x3], $0x400, $0x38;
	[tilespmem:$0x1100] =	vst v63  }
0x4e: {  	s14 =	sadd.s32 $0x500, s14;
	s13 =	sadd.s32 s13, s10  }
0x4f: {  	[hbm:s13] =	stream.linear.scatter [tilespmem:s14], [sflag:$0x3], $0x400, $0x38;
	[tilespmem:$0x1100] =	vst v63  }
.LBB2_5:
0x50: {  	p1 =	slt.u32 s12, $0x2;
	s12 =	sadd.s32 $0x1, s12  }
0x51: {  	p2 =	sne.s32 s12, s6  }
.Ltmp1:
0x52: {  	_ = 	snop;
	(pc) =	sbr.rel @!p2 .LBB2_6-.Ltmp1, $4  }
0x53: {  	s13 =	simm.s32 @!p1 $0x3  }
0x54: {  	_ =	swait.ge @!p1 [sflag:s13], $0x800  }
0x55: {  	[sflag:s13] =	ssyncset.done @!p1 $0x0  }
0x56: {  	p0 =	por !p0, !p0;
	[sflag:s13] =	ssyncadd.s32 @!p1 $0xFFFFF800;
	s13 =	smov.u32 s3  }
.LBB2_1:
0x57: {  	p1 =	sge.u32 s12, s7  }
0x58: {  	s31 =	sadd.s32 $0xFFFFFFFF, s12;
	s14 =	simm.s32 @!p1 $0x0;
	s15 =	simm.s32 @!p1 $0x80  }
0x59: {  	[tilespmem:s15], [sflag:$0x2] =	stream.linear.gather @!p1 [hbm4b:s9+s14], $0x80, $0x38;
	[tilespmem:$0x1100] =	vst v63  }
0x5a: {  	p1 =	sge.u32 s31, s7  }
.Ltmp2:
0x5b: {  	_ = 	snop;
	(pc) =	sbr.rel @p1 .LBB2_5-.Ltmp2, $1  }
0x5c: {  	_ =	sdelay $0x3  }
0x5d: {  	s14 =	simm.s32 $0x1  }
0x5e: {  	_ =	swait.ge [sflag:s5], $0x80;
	s14 =	simm.s32 @!p0 $0x0  }
0x5f: {  	[sflag:s5] =	ssyncset.done $0x0;
	s16 =	sshll.u32 s14, $0x7  }
0x60: {  	[sflag:s5] =	ssyncadd.s32 $0xFFFFFF80;
	s15 =	sadd.s32 $0x0, s16  }
0x61: {  	v1 =	vld.msk [tilespmem:s15+$0x0 ss:$0x1], $0xffff;
	_ =	sdelay $0x2  }
0x62: {  	s19 =	ssub.s32 $0x410, s13  }
0x63: {  	p1 =	slt.s32 s19, $0x80  }
0x64: {  	s19 =	simm.s32 @!p1 $0x80;
	vm1 =	vgt.s32 v1, $0x0  }
0x65: {  	p1 =	sgt.s32 s19, $0x0;
	s15 =	smov.u32 s19;
	v1 =	vnsel vm1, $0x0, v1  }
0x66: {  	s15 =	simm.s32 @!p1 $0x0;
	v1 =	vmin.u32 v1, $0xF423F  }
0x67: {  	s15 =	smin.u32 s15, $0x10;
	v2 =	vshll.u32 v1, $0x3  }
0x68: {  	v3 =	vmov s15;
	v1 =	vand.u32 $0x7F, v1;
	v2 =	vand.u32 $0x7FFC00, v2  }
0x69: {  	vm1 =	vgt.u32 v3, v0;
	v1 =	vor.u32 v1, v2  }
0x6a: {  	v2 =	vnsel vm1, $0x7FFFFFFF, v1;
	_ =	sdelay $0x1  }
0x6b: {  	s14 =	sshll.u32 s14, $0xB;
	v3 =	vor.u32 $0x80, v1  }
0x6c: {  	s17 =	sor.u32 $0x100, s14;
	(ifvalue) =	ssetifvalue $0x7FFFFFFF;
	v3 =	vnsel vm1, $0x7FFFFFFF, v3  }
0x6d: {  	s20 =	sadd.s32 $0x0, s17;
	(ifvalue) =	ssetifvalue $0x7FFFFFFF  }
0x6e: {  	v4 =	vor.u32 $0x100, v1;
	[tilespmem:s20], [sflag:$0x1] =	stream.indirect_vreg.gather [hbm4b:s2+s11], $0x1, v2, vm0, $0x4038;
	[tilespmem:$0x1100] =	vst v63  }
0x6f: {  	(ifvalue) =	ssetifvalue $0x7FFFFFFF;
	v2 =	vnsel vm1, $0x7FFFFFFF, v4  }
0x70: {  	s30 =	sadd.s32 $0x80, s20;
	(ifvalue) =	ssetifvalue $0x7FFFFFFF  }
0x71: {  	v52 =	vor.u32 $0x180, v1;
	[tilespmem:s30], [sflag:$0x1] =	stream.indirect_vreg.gather [hbm4b:s2+s11], $0x1, v3, vm0, $0x4038;
	[tilespmem:$0x1100] =	vst v63  }
0x72: {  	v3 =	vnsel vm1, $0x7FFFFFFF, v52;
	(ifvalue) =	ssetifvalue $0x7FFFFFFF  }
0x73: {  	s31 =	sadd.s32 $0x100, s20;
	(ifvalue) =	ssetifvalue $0x7FFFFFFF  }
0x74: {  	v53 =	vor.u32 $0x200, v1;
	[tilespmem:s31], [sflag:$0x1] =	stream.indirect_vreg.gather [hbm4b:s2+s11], $0x1, v2, vm0, $0x4038;
	[tilespmem:$0x1100] =	vst v63  }
0x75: {  	(ifvalue) =	ssetifvalue $0x7FFFFFFF;
	v2 =	vnsel vm1, $0x7FFFFFFF, v53  }
0x76: {  	s15 =	sadd.s32 $0x180, s20;
	(ifvalue) =	ssetifvalue $0x7FFFFFFF  }
0x77: {  	v54 =	vor.u32 $0x280, v1;
	[tilespmem:s15], [sflag:$0x1] =	stream.indirect_vreg.gather [hbm4b:s2+s11], $0x1, v3, vm0, $0x4038;
	[tilespmem:$0x1100] =	vst v63  }
0x78: {  	v3 =	vnsel vm1, $0x7FFFFFFF, v54;
	(ifvalue) =	ssetifvalue $0x7FFFFFFF  }
0x79: {  	s18 =	sadd.s32 $0x200, s20;
	(ifvalue) =	ssetifvalue $0x7FFFFFFF  }
0x7a: {  	v55 =	vor.u32 $0x300, v1;
	[tilespmem:s18], [sflag:$0x1] =	stream.indirect_vreg.gather [hbm4b:s2+s11], $0x1, v2, vm0, $0x4038;
	[tilespmem:$0x1100] =	vst v63  }
0x7b: {  	(ifvalue) =	ssetifvalue $0x7FFFFFFF;
	v2 =	vnsel vm1, $0x7FFFFFFF, v55  }
0x7c: {  	s21 =	sadd.s32 $0x280, s20;
	(ifvalue) =	ssetifvalue $0x7FFFFFFF  }
0x7d: {  	v56 =	vor.u32 $0x380, v1;
	[tilespmem:s21], [sflag:$0x1] =	stream.indirect_vreg.gather [hbm4b:s2+s11], $0x1, v3, vm0, $0x4038;
	[tilespmem:$0x1100] =	vst v63  }
0x7e: {  	v3 =	vnsel vm1, $0x7FFFFFFF, v56;
	(ifvalue) =	ssetifvalue $0x7FFFFFFF  }
0x7f: {  	s22 =	sadd.s32 $0x300, s20;
	(ifvalue) =	ssetifvalue $0x7FFFFFFF  }
0x80: {  	v57 =	vadd.s32 $0x7A1400, v1;
	[tilespmem:s22], [sflag:$0x1] =	stream.indirect_vreg.gather [hbm4b:s2+s11], $0x1, v2, vm0, $0x4038;
	[tilespmem:$0x1100] =	vst v63  }
0x81: {  	(ifvalue) =	ssetifvalue $0x7FFFFFFF;
	v2 =	vnsel vm1, $0x7FFFFFFF, v57  }
0x82: {  	s23 =	sadd.s32 $0x380, s20;
	(ifvalue) =	ssetifvalue $0x7FFFFFFF  }
0x83: {  	v58 =	vadd.s32 $0x7A1480, v1;
	[tilespmem:s23], [sflag:$0x1] =	stream.indirect_vreg.gather [hbm4b:s2+s11], $0x1, v3, vm0, $0x4038;
	[tilespmem:$0x1100] =	vst v63  }
0x84: {  	v3 =	vnsel vm1, $0x7FFFFFFF, v58;
	(ifvalue) =	ssetifvalue $0x7FFFFFFF  }
0x85: {  	s24 =	sadd.s32 $0x400, s20;
	(ifvalue) =	ssetifvalue $0x7FFFFFFF  }
0x86: {  	v59 =	vadd.s32 $0x7A1500, v1;
	[tilespmem:s24], [sflag:$0x1] =	stream.indirect_vreg.gather [hbm4b:s2+s11], $0x1, v2, vm0, $0x4038;
	[tilespmem:$0x1100] =	vst v63  }
0x87: {  	(ifvalue) =	ssetifvalue $0x7FFFFFFF;
	v2 =	vnsel vm1, $0x7FFFFFFF, v59  }
0x88: {  	s25 =	sadd.s32 $0x480, s20;
	(ifvalue) =	ssetifvalue $0x7FFFFFFF  }
0x89: {  	v60 =	vadd.s32 $0x7A1580, v1;
	[tilespmem:s25], [sflag:$0x1] =	stream.indirect_vreg.gather [hbm4b:s2+s11], $0x1, v3, vm0, $0x4038;
	[tilespmem:$0x1100] =	vst v63  }
0x8a: {  	v3 =	vnsel vm1, $0x7FFFFFFF, v60;
	(ifvalue) =	ssetifvalue $0x7FFFFFFF  }
0x8b: {  	s26 =	sadd.s32 $0x500, s20;
	(ifvalue) =	ssetifvalue $0x7FFFFFFF  }
0x8c: {  	v61 =	vadd.s32 $0x7A1600, v1;
	[tilespmem:s26], [sflag:$0x1] =	stream.indirect_vreg.gather [hbm4b:s2+s11], $0x1, v2, vm0, $0x4038;
	[tilespmem:$0x1100] =	vst v63  }
0x8d: {  	(ifvalue) =	ssetifvalue $0x7FFFFFFF;
	v2 =	vnsel vm1, $0x7FFFFFFF, v61  }
0x8e: {  	s28 =	sadd.s32 $0x580, s20;
	(ifvalue) =	ssetifvalue $0x7FFFFFFF  }
0x8f: {  	v62 =	vadd.s32 $0x7A1680, v1;
	[tilespmem:s28], [sflag:$0x1] =	stream.indirect_vreg.gather [hbm4b:s2+s11], $0x1, v3, vm0, $0x4038;
	[tilespmem:$0x1100] =	vst v63  }
0x90: {  	v3 =	vnsel vm1, $0x7FFFFFFF, v62;
	(ifvalue) =	ssetifvalue $0x7FFFFFFF  }
0x91: {  	s29 =	sadd.s32 $0x600, s20;
	(ifvalue) =	ssetifvalue $0x7FFFFFFF  }
0x92: {  	v63 =	vadd.s32 $0x7A1700, v1;
	[tilespmem:s29], [sflag:$0x1] =	stream.indirect_vreg.gather [hbm4b:s2+s11], $0x1, v2, vm0, $0x4038;
	[tilespmem:$0x1100] =	vst v63  }
0x93: {  	(ifvalue) =	ssetifvalue $0x7FFFFFFF;
	v2 =	vnsel vm1, $0x7FFFFFFF, v63  }
0x94: {  	s31 =	sadd.s32 $0x680, s20;
	(ifvalue) =	ssetifvalue $0x7FFFFFFF  }
0x95: {  	v1 =	vadd.s32 $0x7A1780, v1;
	[tilespmem:s31], [sflag:$0x1] =	stream.indirect_vreg.gather [hbm4b:s2+s11], $0x1, v3, vm0, $0x4038;
	[tilespmem:$0x1100] =	vst v63  }
0x96: {  	s19 =	sadd.s32 $0xFFFFFFF0, s19;
	v1 =	vnsel vm1, $0x7FFFFFFF, v1;
	s30 =	sshll.u32 s12, $0xB;
	(ifvalue) =	ssetifvalue $0x7FFFFFFF  }
0x97: {  	s14 =	sand.u32 $0x800, s30;
	s18 =	sadd.s32 $0x700, s20;
	(ifvalue) =	ssetifvalue $0x7FFFFFFF  }
0x98: {  	[tilespmem:s18], [sflag:$0x1] =	stream.indirect_vreg.gather [hbm4b:s2+s11], $0x1, v2, vm0, $0x4038;
	[tilespmem:$0x1100] =	vst v63  }
0x99: {  	s15 =	sor.u32 $0x100, s14;
	s21 =	simm.s32 $0x80;
	(ifvalue) =	ssetifvalue $0x7FFFFFFF  }
0x9a: {  	s22 =	sadd.s32 $0x780, s20;
	s18 =	simm.s32 $0x10;
	(ifvalue) =	ssetifvalue $0x7FFFFFFF  }
.LBB2_3:
0x9b: {  	[tilespmem:s22], [sflag:$0x1] =	stream.indirect_vreg.gather [hbm4b:s2+s11], $0x1, v1, vm0, $0x4038;
	[tilespmem:$0x1100] =	vst v63  }
0x9c: {  	s20 =	smov.u32 s21  }
0x9d: {  	s23 =	sadd.s32 s18, s16;
	s22 =	sshra.s32 s20, $0x2;
	s20 =	sadd.s32 $0x40, s21  }
0x9e: {  	p1 =	sne.s32 s21, $0x1C0;
	v1 =	vld.msk [tilespmem:s23+$0x0 ss:$0x1], $0xffff  }
0x9f: {  	(ifvalue) =	ssetifvalue $0x7FFFFFFF;
	_ =	sdelay $0x3  }
0xa0: {  	vm1 =	vgt.s32 v1, $0x0  }
0xa1: {  	p2 =	sgt.s32 s19, $0x0;
	s21 =	smov.u32 s19;
	v1 =	vnsel vm1, $0x0, v1  }
0xa2: {  	s21 =	simm.s32 @!p2 $0x0;
	v1 =	vmin.u32 v1, $0xF423F  }
0xa3: {  	s21 =	smin.u32 s21, $0x10;
	v2 =	vshll.u32 v1, $0x3  }
0xa4: {  	v3 =	vmov s21;
	v1 =	vand.u32 $0x7F, v1;
	v2 =	vand.u32 $0x7FFC00, v2  }
0xa5: {  	vm1 =	vgt.u32 v3, v0;
	v1 =	vor.u32 v1, v2  }
0xa6: {  	v2 =	vnsel vm1, $0x7FFFFFFF, v1  }
0xa7: {  	v3 =	vor.u32 $0x80, v1;
	v4 =	vor.u32 $0x100, v1;
	v5 =	vor.u32 $0x180, v1  }
0xa8: {  	v6 =	vor.u32 $0x200, v1;
	v7 =	vor.u32 $0x280, v1;
	v8 =	vor.u32 $0x300, v1  }
0xa9: {  	v9 =	vor.u32 $0x380, v1;
	v10 =	vadd.s32 $0x7A1400, v1;
	v11 =	vadd.s32 $0x7A1480, v1  }
0xaa: {  	v12 =	vadd.s32 $0x7A1500, v1;
	v13 =	vadd.s32 $0x7A1580, v1;
	v3 =	vnsel vm1, $0x7FFFFFFF, v3  }
0xab: {  	s21 =	sadd.s32 s18, s17;
	s18 =	smov.u32 s22;
	v14 =	vadd.s32 $0x7A1600, v1;
	v15 =	vadd.s32 $0x7A1700, v1;
	(ifvalue) =	ssetifvalue $0x7FFFFFFF  }
0xac: {  	[tilespmem:s21], [sflag:$0x1] =	stream.indirect_vreg.gather [hbm4b:s2+s11], $0x1, v2, vm0, $0x4038;
	v2 =	vadd.s32 $0x7A1680, v1;
	v1 =	vadd.s32 $0x7A1780, v1;
	[tilespmem:$0x1100] =	vst v63  }
0xad: {  	v4 =	vnsel vm1, $0x7FFFFFFF, v4;
	(ifvalue) =	ssetifvalue $0x7FFFFFFF  }
0xae: {  	s22 =	sadd.s32 $0x80, s21;
	(ifvalue) =	ssetifvalue $0x7FFFFFFF  }
0xaf: {  	[tilespmem:s22], [sflag:$0x1] =	stream.indirect_vreg.gather [hbm4b:s2+s11], $0x1, v3, vm0, $0x4038;
	[tilespmem:$0x1100] =	vst v63  }
0xb0: {  	v3 =	vnsel vm1, $0x7FFFFFFF, v5;
	(ifvalue) =	ssetifvalue $0x7FFFFFFF  }
0xb1: {  	s22 =	sadd.s32 $0x100, s21;
	(ifvalue) =	ssetifvalue $0x7FFFFFFF  }
0xb2: {  	[tilespmem:s22], [sflag:$0x1] =	stream.indirect_vreg.gather [hbm4b:s2+s11], $0x1, v4, vm0, $0x4038;
	[tilespmem:$0x1100] =	vst v63  }
0xb3: {  	v4 =	vnsel vm1, $0x7FFFFFFF, v6;
	(ifvalue) =	ssetifvalue $0x7FFFFFFF  }
0xb4: {  	s22 =	sadd.s32 $0x180, s21;
	(ifvalue) =	ssetifvalue $0x7FFFFFFF  }
0xb5: {  	[tilespmem:s22], [sflag:$0x1] =	stream.indirect_vreg.gather [hbm4b:s2+s11], $0x1, v3, vm0, $0x4038;
	[tilespmem:$0x1100] =	vst v63  }
0xb6: {  	v3 =	vnsel vm1, $0x7FFFFFFF, v7;
	(ifvalue) =	ssetifvalue $0x7FFFFFFF  }
0xb7: {  	s22 =	sadd.s32 $0x200, s21;
	(ifvalue) =	ssetifvalue $0x7FFFFFFF  }
0xb8: {  	[tilespmem:s22], [sflag:$0x1] =	stream.indirect_vreg.gather [hbm4b:s2+s11], $0x1, v4, vm0, $0x4038;
	[tilespmem:$0x1100] =	vst v63  }
0xb9: {  	v4 =	vnsel vm1, $0x7FFFFFFF, v8;
	(ifvalue) =	ssetifvalue $0x7FFFFFFF  }
0xba: {  	s22 =	sadd.s32 $0x280, s21;
	(ifvalue) =	ssetifvalue $0x7FFFFFFF  }
0xbb: {  	[tilespmem:s22], [sflag:$0x1] =	stream.indirect_vreg.gather [hbm4b:s2+s11], $0x1, v3, vm0, $0x4038;
	[tilespmem:$0x1100] =	vst v63  }
0xbc: {  	v3 =	vnsel vm1, $0x7FFFFFFF, v9;
	(ifvalue) =	ssetifvalue $0x7FFFFFFF  }
0xbd: {  	s22 =	sadd.s32 $0x300, s21;
	(ifvalue) =	ssetifvalue $0x7FFFFFFF  }
0xbe: {  	[tilespmem:s22], [sflag:$0x1] =	stream.indirect_vreg.gather [hbm4b:s2+s11], $0x1, v4, vm0, $0x4038;
	[tilespmem:$0x1100] =	vst v63  }
0xbf: {  	v4 =	vnsel vm1, $0x7FFFFFFF, v10;
	(ifvalue) =	ssetifvalue $0x7FFFFFFF  }
0xc0: {  	s22 =	sadd.s32 $0x380, s21;
	(ifvalue) =	ssetifvalue $0x7FFFFFFF  }
0xc1: {  	[tilespmem:s22], [sflag:$0x1] =	stream.indirect_vreg.gather [hbm4b:s2+s11], $0x1, v3, vm0, $0x4038;
	[tilespmem:$0x1100] =	vst v63  }
0xc2: {  	v3 =	vnsel vm1, $0x7FFFFFFF, v11;
	(ifvalue) =	ssetifvalue $0x7FFFFFFF  }
0xc3: {  	s22 =	sadd.s32 $0x400, s21;
	(ifvalue) =	ssetifvalue $0x7FFFFFFF  }
0xc4: {  	[tilespmem:s22], [sflag:$0x1] =	stream.indirect_vreg.gather [hbm4b:s2+s11], $0x1, v4, vm0, $0x4038;
	[tilespmem:$0x1100] =	vst v63  }
0xc5: {  	v4 =	vnsel vm1, $0x7FFFFFFF, v12;
	(ifvalue) =	ssetifvalue $0x7FFFFFFF  }
0xc6: {  	s22 =	sadd.s32 $0x480, s21;
	(ifvalue) =	ssetifvalue $0x7FFFFFFF  }
0xc7: {  	[tilespmem:s22], [sflag:$0x1] =	stream.indirect_vreg.gather [hbm4b:s2+s11], $0x1, v3, vm0, $0x4038;
	[tilespmem:$0x1100] =	vst v63  }
0xc8: {  	v3 =	vnsel vm1, $0x7FFFFFFF, v13;
	(ifvalue) =	ssetifvalue $0x7FFFFFFF  }
0xc9: {  	s22 =	sadd.s32 $0x500, s21;
	(ifvalue) =	ssetifvalue $0x7FFFFFFF  }
0xca: {  	[tilespmem:s22], [sflag:$0x1] =	stream.indirect_vreg.gather [hbm4b:s2+s11], $0x1, v4, vm0, $0x4038;
	[tilespmem:$0x1100] =	vst v63  }
0xcb: {  	v4 =	vnsel vm1, $0x7FFFFFFF, v14;
	(ifvalue) =	ssetifvalue $0x7FFFFFFF  }
0xcc: {  	s22 =	sadd.s32 $0x580, s21;
	(ifvalue) =	ssetifvalue $0x7FFFFFFF  }
0xcd: {  	[tilespmem:s22], [sflag:$0x1] =	stream.indirect_vreg.gather [hbm4b:s2+s11], $0x1, v3, vm0, $0x4038;
	[tilespmem:$0x1100] =	vst v63  }
0xce: {  	v2 =	vnsel vm1, $0x7FFFFFFF, v2;
	(ifvalue) =	ssetifvalue $0x7FFFFFFF  }
0xcf: {  	s22 =	sadd.s32 $0x600, s21;
	(ifvalue) =	ssetifvalue $0x7FFFFFFF  }
0xd0: {  	[tilespmem:s22], [sflag:$0x1] =	stream.indirect_vreg.gather [hbm4b:s2+s11], $0x1, v4, vm0, $0x4038;
	[tilespmem:$0x1100] =	vst v63  }
0xd1: {  	v3 =	vnsel vm1, $0x7FFFFFFF, v15;
	(ifvalue) =	ssetifvalue $0x7FFFFFFF  }
0xd2: {  	s22 =	sadd.s32 $0x680, s21;
	(ifvalue) =	ssetifvalue $0x7FFFFFFF  }
0xd3: {  	[tilespmem:s22], [sflag:$0x1] =	stream.indirect_vreg.gather [hbm4b:s2+s11], $0x1, v2, vm0, $0x4038;
	[tilespmem:$0x1100] =	vst v63  }
.Ltmp3:
0xd4: {  	v1 =	vnsel vm1, $0x7FFFFFFF, v1;
	(ifvalue) =	ssetifvalue $0x7FFFFFFF;
	(pc) =	sbr.rel @p1 .LBB2_3-.Ltmp3, $4  }
0xd5: {  	s22 =	sadd.s32 $0x700, s21;
	(ifvalue) =	ssetifvalue $0x7FFFFFFF  }
0xd6: {  	[tilespmem:s22], [sflag:$0x1] =	stream.indirect_vreg.gather [hbm4b:s2+s11], $0x1, v3, vm0, $0x4038;
	[tilespmem:$0x1100] =	vst v63  }
0xd7: {  	s19 =	sadd.s32 $0xFFFFFFF0, s19;
	(ifvalue) =	ssetifvalue $0x7FFFFFFF  }
0xd8: {  	s22 =	sadd.s32 $0x780, s21;
	s21 =	smov.u32 s20;
	(ifvalue) =	ssetifvalue $0x7FFFFFFF  }
.Ltmp4:
0xd9: {  	_ = 	snop;
	(pc) =	sbr.rel .LBB2_4-.Ltmp4, $1  }
0xda: {  	_ =	sdelay $0x3  }
.LBB2_6:
0xdb: {  	_ =	sfence.sel $0x180000  }
0xdc: {  	s2 =	simm.s32 $0x2;
	[bflag:$0x0] =	sbarrier.arrive $0xFFFF  }
0xdd: {  	s30 =	simm.s32 $0x3;
	[sflag:s2] =	ssyncpa.u1 $0x1  }
0xde: {  	s31 =	simm.s32 $0x1;
	[sflag:s30] =	ssyncpa.u1 $0x1  }
0xdf: {  	[sflag:s31] =	ssyncpa.u1 $0x1  }
0xe0: {  	p0 =	sne.s32 s0, $0x0;
	_ =	strace $0x9000004A  }
0xe1: {  	s0 =	sadd.s32 @!p0 $0x100000, s1;
	[bflag:$0x2] =	sbarrier.arrive $0xFFFF  }
0xe2: {  	[sflag:s0] =	ssyncadd.tile.s32 @!p0 $0x1;
	_ =	shalt  }
.Lfunc_end2:
_tile_overlayer_lowered:
.L_overlay_start_2:
0xe3: {  	(tag) =	ssettag $0x2  }
0xe4: {  	s0 =	rddreg [dreg:$0x0];
	s2 =	stileid.u32  }
0xe5: {  	s1 =	rddreg [dreg:$0x1];
	p0 =	sne.s32 s2, $0x0  }
0xe6: {  	s3 =	rddreg [dreg:$0x2];
	[bflag:$0x3] =	sbarrier.arrive $0xFFFF;
	s2 =	simm.s32 @!p0 $0x1C01  }
0xe7: {  	[timem:s3], [sflag:s2] =	dma.local @!p0 [hbm:s0], s1  }
0xe8: {  	s0 =	simm.s32 @!p0 $0x1  }
0xe9: {  	_ =	swait.ge @!p0 [sflag:s0], s1  }
0xea: {  	s1 =	ssub.s32 @!p0 $0x0, s1;
	[sflag:s0] =	ssyncset.done @!p0 $0x0  }
0xeb: {  	[sflag:s0] =	ssyncadd.s32 @!p0 s1  }
0xec: {  	[bflag:$0x3] =	sbarrier.arrive $0xFFFF  }
0xed: {  	_ =	shalt  }

// kernel: gather_offload_async_start
scs
__scs_entry_jumppad:
0x0: {  	(pc) =	sbr.rel $0x88, $3  }
0x1: {  	(tag) =	ssettag $0x0;
	lr =	simm.s32 $0x1  }
0x2: {  	[smem:$0x3F9D] =	sst lr;
	_ =	strace $0xD0000000  }
0x3: {  	_ = 	snop  }
0x4: {  	_ = 	snop  }
0x5: {  	_ = 	snop  }
0x6: {  	_ = 	snop  }
0x7: {  	_ = 	snop  }
__scs_overlays_trampoline_lowered:
0x8: {  	[smem:$0x3FAC] =	sst s0  }
0x9: {  	[smem:$0x3FAD] =	sst s1  }
0xa: {  	[smem:$0x3FAE] =	sst s2  }
0xb: {  	[smem:$0x3FAF] =	sst s3  }
0xc: {  	[smem:$0x3FB0] =	sst s4  }
0xd: {  	[smem:$0x3FB1] =	sst s5  }
0xe: {  	[smem:$0x3FB2] =	sst s6  }
0xf: {  	[smem:$0x3FB3] =	sst s7  }
0x10: {  	[smem:$0x3FB4] =	sst s8  }
0x11: {  	[smem:$0x3FB5] =	sst s9;
	s0 =	simm.s32 @!p0 $0x0  }
0x12: {  	s1 =	sld [smem:$0x3F9B];
	s0 =	simm.s32 @p0 $0x1  }
0x13: {  	[smem:$0x3FB6] =	sst s0;
	s0 =	simm.s32 @!p1 $0x0  }
0x14: {  	s2 =	sld [smem:$0x3F9A];
	s0 =	simm.s32 @p1 $0x1  }
0x15: {  	[smem:$0x3FB7] =	sst s0;
	s0 =	simm.s32 @!p2 $0x0  }
0x16: {  	s3 =	sld [smem:$0x3FDB];
	s0 =	simm.s32 @p2 $0x1  }
0x17: {  	s4 =	simm.s32 $0x1BF5;
	[smem:$0x3FB9] =	sst s0  }
0x18: {  	s0 =	sld [smem:$0x3F9C];
	_ =	swait.ge [sflag:s4], $0x0  }
0x19: {  	s7 =	sld [smem:$0x3F9D]  }
0x1a: {  	s8 =	sadd.s32 $0xFFFFE003, lr  }
0x1b: {  	s9 =	sadd.s32 $0xFFFFFEF7, lr;
	s5 =	simm.s32 $0xFFFFFFFF;
	p2 =	slt.u32 s8, $0xFFFFF086  }
0x1c: {  	p1 =	slt.u32 s9, $0xF7A;
	s5 =	simm.s32 @!p2 $0x0  }
0x1d: {  	s5 =	simm.s32 @p1 $0x1;
	p0 =	seq.s32 s7, s2  }
0x1e: {  	s7 =	smul.u32 @!p0 $0xF7A, s2;
	p2 =	seq.s32 @!p0 s5, $0x0  }
0x1f: {  	s9 =	smul.u32 $0xF7A, s1;
	s8 =	simm.s32 @!p0 $0x1BF5;
	p2 =	por !p2, p0  }
0x20: {  	[sflag:s8] =	ssyncset.s32 @!p0 $0xFFFFF086;
	s6 =	sadd.s32 @!p0 s3, s7;
	s7 =	simm.s32 @!p0 $0x108  }
0x21: {  	s3 =	sadd.s32 s3, s9;
	s6 =	sadd.s32 @!p0 $0x88, s6;
	s7 =	simm.s32 @p2 $0x1082  }
0x22: {  	[simem:s7], [sflag:s8] =	dma.local @!p0 [hbm:s6], $0xF7A  }
0x23: {  	s9 =	sor.u32 $0xD0000000, s2;
	s6 =	simm.s32 $0x108;
	_ =	swait.ge @!p0 [sflag:s8], $0x0  }
0x24: {  	s3 =	sadd.s32 $0x88, s3;
	s6 =	simm.s32 @!p1 $0x1082;
	[sflag:s4] =	ssyncset.s32 $0xFFFFF086  }
0x25: {  	[simem:s6], [sflag:s4] =	dma.local [hbm:s3], $0xF7A  }
0x26: {  	[smem:$0x3F9D] =	sst s1;
	(tag) =	ssettag s2;
	_ =	strace s9  }
0x27: {  	s1 =	sld [smem:$0x3FAD]  }
0x28: {  	s2 =	sld [smem:$0x3FAE]  }
0x29: {  	s4 =	sld [smem:$0x3FB0]  }
0x2a: {  	p0 =	seq.s32 s5, $0x0;
	s5 =	sld [smem:$0x3FB1]  }
0x2b: {  	s6 =	sld [smem:$0x3FB2]  }
0x2c: {  	s7 =	sld [smem:$0x3FB3]  }
0x2d: {  	s3 =	simm.s32 $0x108;
	s8 =	sld [smem:$0x3FB4]  }
0x2e: {  	s3 =	simm.s32 @!p0 $0x1082;
	s9 =	sld [smem:$0x3FB5]  }
0x2f: {  	lr =	sadd.s32 s0, s3;
	s0 =	sld [smem:$0x3FAC]  }
0x30: {  	s3 =	sld [smem:$0x3FAF]  }
0x31: {  	[smem:$0x3FB8] =	sst s10  }
0x32: {  	s10 =	sld [smem:$0x3FB6];
	_ =	sdelay $0x3  }
0x33: {  	p0 =	seq.s32 s10, $0x1;
	s10 =	sld [smem:$0x3FB8];
	_ =	sdelay $0x3  }
0x34: {  	[smem:$0x3FB8] =	sst s10  }
0x35: {  	s10 =	sld [smem:$0x3FB7];
	_ =	sdelay $0x3  }
0x36: {  	p1 =	seq.s32 s10, $0x1;
	s10 =	sld [smem:$0x3FB8];
	_ =	sdelay $0x3  }
0x37: {  	[smem:$0x3FB8] =	sst s10  }
0x38: {  	s10 =	sld [smem:$0x3FB9]  }
0x39: {  	_ = 	snop;
	(pc) =	sbr.ind lr, $3  }
0x3a: {  	_ = 	snop  }
0x3b: {  	_ = 	snop  }
0x3c: {  	p2 =	seq.s32 s10, $0x1;
	s10 =	sld [smem:$0x3FB8]  }
0x3d: {  	_ =	shalt  }
0x3e: {  	_ =	shalt  }
0x3f: {  	_ =	shalt  }
0x40: {  	_ =	shalt  }
0x41: {  	_ =	shalt  }
0x42: {  	_ =	shalt  }
0x43: {  	_ =	shalt  }
0x44: {  	_ =	shalt  }
0x45: {  	_ =	shalt  }
0x46: {  	_ =	shalt  }
0x47: {  	_ =	shalt  }
0x48: {  	_ =	shalt  }
0x49: {  	_ =	shalt  }
0x4a: {  	_ =	shalt  }
0x4b: {  	_ =	shalt  }
0x4c: {  	_ =	shalt  }
0x4d: {  	_ =	shalt  }
0x4e: {  	_ =	shalt  }
0x4f: {  	_ =	shalt  }
0x50: {  	_ =	shalt  }
0x51: {  	_ =	shalt  }
0x52: {  	_ =	shalt  }
0x53: {  	_ =	shalt  }
0x54: {  	_ =	shalt  }
0x55: {  	_ =	shalt  }
0x56: {  	_ =	shalt  }
0x57: {  	_ =	shalt  }
0x58: {  	_ =	shalt  }
0x59: {  	_ =	shalt  }
0x5a: {  	_ =	shalt  }
0x5b: {  	_ =	shalt  }
0x5c: {  	_ =	shalt  }
0x5d: {  	_ =	shalt  }
0x5e: {  	_ =	shalt  }
0x5f: {  	_ =	shalt  }
0x60: {  	_ =	shalt  }
0x61: {  	_ =	shalt  }
0x62: {  	_ =	shalt  }
0x63: {  	_ =	shalt  }
0x64: {  	_ =	shalt  }
0x65: {  	_ =	shalt  }
0x66: {  	_ =	shalt  }
0x67: {  	_ =	shalt  }
0x68: {  	_ =	shalt  }
0x69: {  	_ =	shalt  }
0x6a: {  	_ =	shalt  }
0x6b: {  	_ =	shalt  }
0x6c: {  	_ =	shalt  }
0x6d: {  	_ =	shalt  }
0x6e: {  	_ =	shalt  }
0x6f: {  	_ =	shalt  }
0x70: {  	_ =	shalt  }
0x71: {  	_ =	shalt  }
0x72: {  	_ =	shalt  }
0x73: {  	_ =	shalt  }
0x74: {  	_ =	shalt  }
0x75: {  	_ =	shalt  }
0x76: {  	_ =	shalt  }
0x77: {  	_ =	shalt  }
0x78: {  	_ =	shalt  }
0x79: {  	_ =	shalt  }
0x7a: {  	_ =	shalt  }
0x7b: {  	_ =	shalt  }
0x7c: {  	_ =	shalt  }
0x7d: {  	_ =	shalt  }
0x7e: {  	_ =	shalt  }
0x7f: {  	_ =	shalt  }
0x80: {  	_ =	shalt  }
0x81: {  	_ =	shalt  }
0x82: {  	_ =	shalt  }
0x83: {  	_ =	shalt  }
0x84: {  	_ =	shalt  }
0x85: {  	_ =	shalt  }
0x86: {  	_ =	shalt  }
0x87: {  	_ =	shalt  }
.Lfunc_end0:
.L_simem_size_0:
called_computation_lowered:
.L_overlay_start_0:
0x88: {  	s2 =	sld [smem:$0x3FD9]  }
0x89: {  	s3 =	sld [smem:$0x3FFE];
	_ =	sdelay $0x1  }
0x8a: {  	s1 =	srdreg.scid  }
0x8b: {  	s0 =	sand.u32 $0x1, s1  }
0x8c: {  	s17 =	sshll.u32 s0, $0xA;
	s2 =	sadd.s32 s3, s2  }
0x8d: {  	s2 =	sadd.s32 s2, s17  }
0x8e: {  	[smem:$0x3FC4] =	sst s2  }
0x8f: {  	_ = 	snop  }
0x90: {  	s4 =	sld [smem:$0x3FC8]  }
0x91: {  	s18 =	sld [smem:$0x3FD0];
	(tm) =	ssettm $0x1  }
0x92: {  	s19 =	sld [smem:$0x3FFB];
	_ =	sdelay $0x3  }
0x93: {  	_ =	strace s19  }
0x94: {  	s2 =	sld [smem:$0x3FFC];
	_ =	sdelay $0x3  }
0x95: {  	_ =	strace s2  }
0x96: {  	s2 =	sld [smem:$0x3FFD];
	_ =	sdelay $0x3  }
0x97: {  	_ =	strace s2  }
0x98: {  	_ =	strace $0x8FFFFFFF  }
0x99: {  	s20 =	sld [smem:$0x3FDB];
	_ =	sdelay $0x1  }
0x9a: {  	s5 =	simm.s32 $_scs_section_size  }
0x9b: {  	s6 =	simm.s32 $_size__tile_overlayer_lowered;
	s7 =	simm.s32 $_tile_overlayer_lowered  }
0x9c: {  	s8 =	simm.s32 $0x1BFF;
	s21 =	sshll.u32 s7, $0x1;
	s5 =	sadd.s32 s5, s20  }
0x9d: {  	s22 =	simm.s32 $0x0;
	s6 =	sshll.u32 s6, $0x1;
	s7 =	sadd.s32 s21, s5  }
0x9e: {  	[timem:s22], [sflag:s8] =	dma.local [hbm:s7], s6  }
0x9f: {  	_ =	swait.ge [sflag:s8], s6  }
0xa0: {  	s6 =	ssub.s32 $0x0, s6;
	[sflag:s8] =	ssyncset.done $0x0  }
0xa1: {  	[sflag:s8] =	ssyncadd.s32 s6;
	_ =	sdelay $0x1  }
0xa2: {  	s23 =	simm.s32 $0x1B8B  }
0xa3: {  	_ =	swait.ge [sflag:s23], $0x1  }
0xa4: {  	[sflag:s23] =	ssyncset.done $0x0  }
0xa5: {  	[sflag:s23] =	ssyncadd.s32 $0xFFFFFFFF  }
0xa6: {  	s6 =	sld [smem:$0x0]  }
0xa7: {  	s7 =	sand.u32 $0xFFFFFFFE, s1  }
0xa8: {  	p0 =	sne.s32 s1, s7  }
0xa9: {  	s7 =	sshll.u32 @p0 s7, $0xE  }
0xaa: {  	s7 =	sadd.s32 @p0 $0x11B8D, s7;
	s8 =	sshll.u32 @p0 s6, $0x11  }
0xab: {  	s7 =	sor.u32 @p0 s8, s7  }
0xac: {  	[sflag:s7] =	ssyncadd.remote.s32 @p0 $0x1;
	_ =	sdelay $0x1  }
0xad: {  	s7 =	simm.s32 @p0 $0x1B8D  }
0xae: {  	_ =	swait.eq @p0 [sflag:s7], $0x1  }
0xaf: {  	[sflag:s7] =	ssyncadd.s32 @p0 $0xFFFFFFFF  }
0xb0: {  	s8 =	sshll.u32 @!p0 s1, $0xE  }
0xb1: {  	s8 =	sor.u32 @!p0 $0x4000, s8;
	s7 =	simm.s32 @!p0 $0x1B8D  }
0xb2: {  	s6 =	sshll.u32 @!p0 s6, $0x11;
	s8 =	sadd.s32 @!p0 $0x11B8D, s8;
	_ =	swait.eq @!p0 [sflag:s7], $0x1  }
0xb3: {  	s6 =	sor.u32 @!p0 s6, s8;
	[sflag:s7] =	ssyncadd.s32 @!p0 $0xFFFFFFFF  }
0xb4: {  	s25 =	simm.s32 $0x1B8E;
	s24 =	sld [smem:$0x3FFE];
	[sflag:s6] =	ssyncadd.remote.s32 @!p0 $0x1  }
0xb5: {  	s26 =	simm.s32 $execute0_lowered;
	[smem:$0x3FD2] =	sst s25  }
0xb6: {  	s7 =	sshll.u32 s26, $0x1;
	_ =	strace $0x8000004C;
	[dreg:$0x1] =	wrdreg $0xFFFFFFFF  }
0xb7: {  	s28 =	simm.s32 $_size_execute0_lowered;
	s5 =	sadd.s32 s5, s7;
	[dreg:$0x0] =	wrdreg $0x0  }
0xb8: {  	s7 =	sshll.u32 s28, $0x1;
	[dreg:$0x2] =	wrdreg s5  }
0xb9: {  	[dreg:$0x3] =	wrdreg s7  }
0xba: {  	[dreg:$0x4] =	wrdreg $0xC0  }
0xbb: {  	_ =	task [dreg:s22], $0x5FFFF  }
0xbc: {  	[dreg:$0x1] =	wrdreg $0xFFFFFFFF  }
0xbd: {  	[dreg:$0x0] =	wrdreg $0x60  }
0xbe: {  	[dreg:$0x2] =	wrdreg s4  }
0xbf: {  	[dreg:$0x3] =	wrdreg s24  }
0xc0: {  	[dreg:$0x4] =	wrdreg s18  }
0xc1: {  	[dreg:$0x5] =	wrdreg $0x9  }
0xc2: {  	_ =	task.clear_ibuf [dreg:s22], $0x6FFFF;
	_ =	strace $0x9000004C  }
0xc3: {  	s29 =	simm.s32 $0x9;
	_ =	strace $0x8000004E  }
0xc4: {  	_ =	swait.ge [sflag:s29], $0x1  }
0xc5: {  	[sflag:s29] =	ssyncadd.s32 $0xFFFFFFFF  }
0xc6: {  	_ =	strace $0x9000004E  }
0xc7: {  	_ =	sfence  }
0xc8: {  	s30 =	sld [smem:$0x0];
	_ =	sdelay $0x2  }
0xc9: {  	s31 =	sshll.u32 s1, $0xD;
	s1 =	sshrl.u32 s1, $0x2  }
0xca: {  	s4 =	sand.u32 $0x4000, s31;
	s1 =	sadd.s32 s1, s30  }
0xcb: {  	s0 =	sor.u32 s4, s0;
	s1 =	sshll.u32 s1, $0x11  }
0xcc: {  	s0 =	sor.u32 s1, s0  }
0xcd: {  	s0 =	sadd.s32 $0x8F2B, s0  }
0xce: {  	[sflag:s0] =	ssyncadd.remote.s32 $0x1  }
0xcf: {  	_ =	sfence.sel $0xFFFF  }
0xd0: {  	[dreg:$0x0] =	wrdreg $0xFFFFFFFF;
	(pc) =	sbr.abs _section_cstart, $3  }
0xd1: {  	[dreg:$0x1] =	wrdreg $0xFFFFFFFF  }
0xd2: {  	_ =	task.clear_ibuf [dreg:s22], $0x2FFFF;
	_ =	strace $0x9FFFFFFF  }
0xd3: {  	(tm) =	ssettm $0x7FFFFFFF  }
tec
execute0_lowered:
.L_overlay_start_1:
0x0: {  	(tag) =	ssettag $0x1  }
0x1: {  	s2 =	rddreg [dreg:$0x0];
	s1 =	srdreg.scid  }
0x2: {  	s9 =	rddreg [dreg:$0x1];
	s0 =	stileid.u32  }
0x3: {  	s3 =	rddreg [dreg:$0x2];
	s6 =	simm.s32 $0x2;
	s7 =	simm.s32 $0x3  }
0x4: {  	s11 =	simm.s32 $0x0;
	s13 =	simm.s32 $0x0;
	s1 =	sshll.u32 s1, $0x7  }
0x5: {  	s12 =	simm.s32 $0x0;
	s4 =	sshll.u32 s0, $0x8;
	s5 =	sand.u32 $0x80, s1  }
0x6: {  	s1 =	rddreg [dreg:$0x3];
	_ =	strace $0x8000004D;
	s4 =	sor.u32 s4, s5  }
0x7: {  	s5 =	simm.s32 $0x1;
	s8 =	ssub.s32 $0x800, s4;
	s10 =	sshrl.u32 s4, $0x3  }
.Ltmp0:
0x8: {  	[sflag:s5] =	ssyncpa.u1 $0x0;
	p0 =	sgt.s32 s8, $0x0;
	(pc) =	sbr.rel .LBB2_1-.Ltmp0, $4  }
0x9: {  	[sflag:s6] =	ssyncpa.u1 $0x0;
	s9 =	sadd.s32 s10, s9;
	s8 =	simm.s32 @!p0 $0x0  }
0xa: {  	s10 =	sadd.s32 $0x800, s3;
	[sflag:s7] =	ssyncpa.u1 $0x0;
	s8 =	sand.u32 $0xF80, s8  }
0xb: {  	s9 =	sadd.s32 $0x2000, s9;
	p0 =	sne.s32 s8, $0x0;
	s8 =	simm.s32 $0x1  }
0xc: {  	vm0 =	vmmov $0xffff;
	v0 =	vlaneseq.u32;
	s8 =	simm.s32 @!p0 $0x0;
	s7 =	simm.s32 @!p0 $0x2;
	p0 =	por $0x0, $0x0  }
.LBB2_4:
0xd: {  	_ =	sdelay $0x3  }
0xe: {  	[tilespmem:s22], [sflag:$0x1] =	stream.indirect_vreg.gather [hbm4b:s2+s11], $0x1, v1, vm0, $0x4038;
	[tilespmem:$0x1100] =	vst v63  }
0xf: {  	s16 =	sadd.s32 s18, s16  }
0x10: {  	v1 =	vld.msk [tilespmem:s16+$0x0 ss:$0x1], $0xffff;
	_ =	sdelay $0x4  }
0x11: {  	vm1 =	vgt.s32 v1, $0x0  }
0x12: {  	p1 =	sgt.s32 s19, $0x0;
	v1 =	vnsel vm1, $0x0, v1  }
0x13: {  	s19 =	simm.s32 @!p1 $0x0;
	v1 =	vmin.u32 v1, $0xF423F  }
0x14: {  	s28 =	smin.u32 s19, $0x10;
	v2 =	vshll.u32 v1, $0x3  }
0x15: {  	v3 =	vmov s28;
	v1 =	vand.u32 $0x7F, v1;
	v2 =	vand.u32 $0x7FFC00, v2  }
0x16: {  	vm1 =	vgt.u32 v3, v0;
	v1 =	vor.u32 v1, v2  }
0x17: {  	v2 =	vnsel vm1, $0x7FFFFFFF, v1;
	_ =	sdelay $0x1  }
0x18: {  	v3 =	vor.u32 $0x80, v1  }
0x19: {  	(ifvalue) =	ssetifvalue $0x7FFFFFFF;
	v3 =	vnsel vm1, $0x7FFFFFFF, v3  }
0x1a: {  	s16 =	sadd.s32 s18, s17;
	(ifvalue) =	ssetifvalue $0x7FFFFFFF  }
0x1b: {  	v4 =	vor.u32 $0x100, v1;
	[tilespmem:s16], [sflag:$0x1] =	stream.indirect_vreg.gather [hbm4b:s2+s11], $0x1, v2, vm0, $0x4038;
	[tilespmem:$0x1100] =	vst v63  }
0x1c: {  	(ifvalue) =	ssetifvalue $0x7FFFFFFF;
	v2 =	vnsel vm1, $0x7FFFFFFF, v4  }
0x1d: {  	s17 =	sadd.s32 $0x80, s16;
	(ifvalue) =	ssetifvalue $0x7FFFFFFF  }
0x1e: {  	v52 =	vor.u32 $0x180, v1;
	[tilespmem:s17], [sflag:$0x1] =	stream.indirect_vreg.gather [hbm4b:s2+s11], $0x1, v3, vm0, $0x4038;
	[tilespmem:$0x1100] =	vst v63  }
0x1f: {  	v3 =	vnsel vm1, $0x7FFFFFFF, v52;
	(ifvalue) =	ssetifvalue $0x7FFFFFFF  }
0x20: {  	s29 =	sadd.s32 $0x100, s16;
	(ifvalue) =	ssetifvalue $0x7FFFFFFF  }
0x21: {  	v53 =	vor.u32 $0x200, v1;
	[tilespmem:s29], [sflag:$0x1] =	stream.indirect_vreg.gather [hbm4b:s2+s11], $0x1, v2, vm0, $0x4038;
	[tilespmem:$0x1100] =	vst v63  }
0x22: {  	(ifvalue) =	ssetifvalue $0x7FFFFFFF;
	v2 =	vnsel vm1, $0x7FFFFFFF, v53  }
0x23: {  	s30 =	sadd.s32 $0x180, s16;
	(ifvalue) =	ssetifvalue $0x7FFFFFFF  }
0x24: {  	v54 =	vor.u32 $0x280, v1;
	[tilespmem:s30], [sflag:$0x1] =	stream.indirect_vreg.gather [hbm4b:s2+s11], $0x1, v3, vm0, $0x4038;
	[tilespmem:$0x1100] =	vst v63  }
0x25: {  	v3 =	vnsel vm1, $0x7FFFFFFF, v54;
	(ifvalue) =	ssetifvalue $0x7FFFFFFF  }
0x26: {  	s31 =	sadd.s32 $0x200, s16;
	(ifvalue) =	ssetifvalue $0x7FFFFFFF  }
0x27: {  	v55 =	vor.u32 $0x300, v1;
	[tilespmem:s31], [sflag:$0x1] =	stream.indirect_vreg.gather [hbm4b:s2+s11], $0x1, v2, vm0, $0x4038;
	[tilespmem:$0x1100] =	vst v63  }
0x28: {  	(ifvalue) =	ssetifvalue $0x7FFFFFFF;
	v2 =	vnsel vm1, $0x7FFFFFFF, v55  }
0x29: {  	s18 =	sadd.s32 $0x280, s16;
	(ifvalue) =	ssetifvalue $0x7FFFFFFF  }
0x2a: {  	v56 =	vor.u32 $0x380, v1;
	[tilespmem:s18], [sflag:$0x1] =	stream.indirect_vreg.gather [hbm4b:s2+s11], $0x1, v3, vm0, $0x4038;
	[tilespmem:$0x1100] =	vst v63  }
0x2b: {  	v3 =	vnsel vm1, $0x7FFFFFFF, v56;
	(ifvalue) =	ssetifvalue $0x7FFFFFFF  }
0x2c: {  	s19 =	sadd.s32 $0x300, s16;
	(ifvalue) =	ssetifvalue $0x7FFFFFFF  }
0x2d: {  	v57 =	vadd.s32 $0x7A1400, v1;
	[tilespmem:s19], [sflag:$0x1] =	stream.indirect_vreg.gather [hbm4b:s2+s11], $0x1, v2, vm0, $0x4038;
	[tilespmem:$0x1100] =	vst v63  }
0x2e: {  	(ifvalue) =	ssetifvalue $0x7FFFFFFF;
	v2 =	vnsel vm1, $0x7FFFFFFF, v57  }
0x2f: {  	s20 =	sadd.s32 $0x380, s16;
	(ifvalue) =	ssetifvalue $0x7FFFFFFF  }
0x30: {  	v58 =	vadd.s32 $0x7A1480, v1;
	[tilespmem:s20], [sflag:$0x1] =	stream.indirect_vreg.gather [hbm4b:s2+s11], $0x1, v3, vm0, $0x4038;
	[tilespmem:$0x1100] =	vst v63  }
0x31: {  	v3 =	vnsel vm1, $0x7FFFFFFF, v58;
	(ifvalue) =	ssetifvalue $0x7FFFFFFF  }
0x32: {  	s21 =	sadd.s32 $0x400, s16;
	(ifvalue) =	ssetifvalue $0x7FFFFFFF  }
0x33: {  	v59 =	vadd.s32 $0x7A1500, v1;
	[tilespmem:s21], [sflag:$0x1] =	stream.indirect_vreg.gather [hbm4b:s2+s11], $0x1, v2, vm0, $0x4038;
	[tilespmem:$0x1100] =	vst v63  }
0x34: {  	(ifvalue) =	ssetifvalue $0x7FFFFFFF;
	v2 =	vnsel vm1, $0x7FFFFFFF, v59  }
0x35: {  	s22 =	sadd.s32 $0x480, s16;
	(ifvalue) =	ssetifvalue $0x7FFFFFFF  }
0x36: {  	v60 =	vadd.s32 $0x7A1580, v1;
	[tilespmem:s22], [sflag:$0x1] =	stream.indirect_vreg.gather [hbm4b:s2+s11], $0x1, v3, vm0, $0x4038;
	[tilespmem:$0x1100] =	vst v63  }
0x37: {  	v3 =	vnsel vm1, $0x7FFFFFFF, v60;
	(ifvalue) =	ssetifvalue $0x7FFFFFFF  }
0x38: {  	s23 =	sadd.s32 $0x500, s16;
	(ifvalue) =	ssetifvalue $0x7FFFFFFF  }
0x39: {  	v61 =	vadd.s32 $0x7A1600, v1;
	[tilespmem:s23], [sflag:$0x1] =	stream.indirect_vreg.gather [hbm4b:s2+s11], $0x1, v2, vm0, $0x4038;
	[tilespmem:$0x1100] =	vst v63  }
0x3a: {  	(ifvalue) =	ssetifvalue $0x7FFFFFFF;
	v2 =	vnsel vm1, $0x7FFFFFFF, v61  }
0x3b: {  	s24 =	sadd.s32 $0x580, s16;
	(ifvalue) =	ssetifvalue $0x7FFFFFFF  }
0x3c: {  	v62 =	vadd.s32 $0x7A1680, v1;
	[tilespmem:s24], [sflag:$0x1] =	stream.indirect_vreg.gather [hbm4b:s2+s11], $0x1, v3, vm0, $0x4038;
	[tilespmem:$0x1100] =	vst v63  }
0x3d: {  	v3 =	vnsel vm1, $0x7FFFFFFF, v62;
	(ifvalue) =	ssetifvalue $0x7FFFFFFF  }
0x3e: {  	s25 =	sadd.s32 $0x600, s16;
	(ifvalue) =	ssetifvalue $0x7FFFFFFF  }
0x3f: {  	v63 =	vadd.s32 $0x7A1700, v1;
	[tilespmem:s25], [sflag:$0x1] =	stream.indirect_vreg.gather [hbm4b:s2+s11], $0x1, v2, vm0, $0x4038;
	[tilespmem:$0x1100] =	vst v63  }
0x40: {  	(ifvalue) =	ssetifvalue $0x7FFFFFFF;
	v2 =	vnsel vm1, $0x7FFFFFFF, v63  }
0x41: {  	s26 =	sadd.s32 $0x680, s16;
	(ifvalue) =	ssetifvalue $0x7FFFFFFF  }
0x42: {  	v1 =	vadd.s32 $0x7A1780, v1;
	[tilespmem:s26], [sflag:$0x1] =	stream.indirect_vreg.gather [hbm4b:s2+s11], $0x1, v3, vm0, $0x4038;
	[tilespmem:$0x1100] =	vst v63  }
0x43: {  	v1 =	vnsel vm1, $0x7FFFFFFF, v1;
	(ifvalue) =	ssetifvalue $0x7FFFFFFF  }
0x44: {  	s28 =	sadd.s32 $0x700, s16;
	(ifvalue) =	ssetifvalue $0x7FFFFFFF  }
0x45: {  	[tilespmem:s28], [sflag:$0x1] =	stream.indirect_vreg.gather [hbm4b:s2+s11], $0x1, v2, vm0, $0x4038;
	[tilespmem:$0x1100] =	vst v63  }
0x46: {  	(ifvalue) =	ssetifvalue $0x7FFFFFFF  }
0x47: {  	s16 =	sadd.s32 $0x780, s16;
	s29 =	sshll.u32 s13, $0x3;
	(ifvalue) =	ssetifvalue $0x7FFFFFFF  }
0x48: {  	[tilespmem:s16], [sflag:$0x1] =	stream.indirect_vreg.gather [hbm4b:s2+s11], $0x1, v1, vm0, $0x4038;
	[tilespmem:$0x1100] =	vst v63  }
0x49: {  	s30 =	sand.u32 $0x78, s13;
	s16 =	sand.u32 $0x7FFFFC00, s29  }
0x4a: {  	_ =	swait.ge [sflag:s5], $0x800;
	s13 =	sor.u32 s30, s16  }
0x4b: {  	[sflag:s5] =	ssyncset.done $0x0;
	s13 =	sshrl.u32 s13, $0x3  }
0x4c: {  	[sflag:s5] =	ssyncadd.s32 $0xFFFFF800;
	s31 =	sadd.s32 s3, s13  }
0x4d: {  	[hbm:s31] =	stream.linear.scatter [tilespmem:s15], [sflag:$0x3], $0x400, $0x38;
	[tilespmem:$0x1100] =	vst v63  }
0x4e: {  	s14 =	sadd.s32 $0x500, s14;
	s13 =	sadd.s32 s13, s10  }
0x4f: {  	[hbm:s13] =	stream.linear.scatter [tilespmem:s14], [sflag:$0x3], $0x400, $0x38;
	[tilespmem:$0x1100] =	vst v63  }
.LBB2_5:
0x50: {  	p1 =	slt.u32 s12, $0x2;
	s12 =	sadd.s32 $0x1, s12  }
0x51: {  	p2 =	sne.s32 s12, s7  }
.Ltmp1:
0x52: {  	_ = 	snop;
	(pc) =	sbr.rel @!p2 .LBB2_6-.Ltmp1, $4  }
0x53: {  	s13 =	simm.s32 @!p1 $0x3  }
0x54: {  	_ =	swait.ge @!p1 [sflag:s13], $0x800  }
0x55: {  	[sflag:s13] =	ssyncset.done @!p1 $0x0  }
0x56: {  	p0 =	por !p0, !p0;
	[sflag:s13] =	ssyncadd.s32 @!p1 $0xFFFFF800;
	s13 =	smov.u32 s4  }
.LBB2_1:
0x57: {  	p1 =	sge.u32 s12, s8  }
0x58: {  	s31 =	sadd.s32 $0xFFFFFFFF, s12;
	s14 =	simm.s32 @!p1 $0x0;
	s15 =	simm.s32 @!p1 $0x80  }
0x59: {  	[tilespmem:s15], [sflag:$0x2] =	stream.linear.gather @!p1 [hbm4b:s9+s14], $0x80, $0x38;
	[tilespmem:$0x1100] =	vst v63  }
0x5a: {  	p1 =	sge.u32 s31, s8  }
.Ltmp2:
0x5b: {  	_ = 	snop;
	(pc) =	sbr.rel @p1 .LBB2_5-.Ltmp2, $1  }
0x5c: {  	_ =	sdelay $0x3  }
0x5d: {  	s14 =	simm.s32 $0x1  }
0x5e: {  	_ =	swait.ge [sflag:s6], $0x80;
	s14 =	simm.s32 @!p0 $0x0  }
0x5f: {  	[sflag:s6] =	ssyncset.done $0x0;
	s16 =	sshll.u32 s14, $0x7  }
0x60: {  	[sflag:s6] =	ssyncadd.s32 $0xFFFFFF80;
	s15 =	sadd.s32 $0x0, s16  }
0x61: {  	v1 =	vld.msk [tilespmem:s15+$0x0 ss:$0x1], $0xffff;
	_ =	sdelay $0x2  }
0x62: {  	s19 =	ssub.s32 $0x800, s13  }
0x63: {  	p1 =	slt.s32 s19, $0x80  }
0x64: {  	s19 =	simm.s32 @!p1 $0x80;
	vm1 =	vgt.s32 v1, $0x0  }
0x65: {  	p1 =	sgt.s32 s19, $0x0;
	s15 =	smov.u32 s19;
	v1 =	vnsel vm1, $0x0, v1  }
0x66: {  	s15 =	simm.s32 @!p1 $0x0;
	v1 =	vmin.u32 v1, $0xF423F  }
0x67: {  	s15 =	smin.u32 s15, $0x10;
	v2 =	vshll.u32 v1, $0x3  }
0x68: {  	v3 =	vmov s15;
	v1 =	vand.u32 $0x7F, v1;
	v2 =	vand.u32 $0x7FFC00, v2  }
0x69: {  	vm1 =	vgt.u32 v3, v0;
	v1 =	vor.u32 v1, v2  }
0x6a: {  	v2 =	vnsel vm1, $0x7FFFFFFF, v1;
	_ =	sdelay $0x1  }
0x6b: {  	s14 =	sshll.u32 s14, $0xB;
	v3 =	vor.u32 $0x80, v1  }
0x6c: {  	s17 =	sor.u32 $0x100, s14;
	(ifvalue) =	ssetifvalue $0x7FFFFFFF;
	v3 =	vnsel vm1, $0x7FFFFFFF, v3  }
0x6d: {  	s20 =	sadd.s32 $0x0, s17;
	(ifvalue) =	ssetifvalue $0x7FFFFFFF  }
0x6e: {  	v4 =	vor.u32 $0x100, v1;
	[tilespmem:s20], [sflag:$0x1] =	stream.indirect_vreg.gather [hbm4b:s2+s11], $0x1, v2, vm0, $0x4038;
	[tilespmem:$0x1100] =	vst v63  }
0x6f: {  	(ifvalue) =	ssetifvalue $0x7FFFFFFF;
	v2 =	vnsel vm1, $0x7FFFFFFF, v4  }
0x70: {  	s30 =	sadd.s32 $0x80, s20;
	(ifvalue) =	ssetifvalue $0x7FFFFFFF  }
0x71: {  	v52 =	vor.u32 $0x180, v1;
	[tilespmem:s30], [sflag:$0x1] =	stream.indirect_vreg.gather [hbm4b:s2+s11], $0x1, v3, vm0, $0x4038;
	[tilespmem:$0x1100] =	vst v63  }
0x72: {  	v3 =	vnsel vm1, $0x7FFFFFFF, v52;
	(ifvalue) =	ssetifvalue $0x7FFFFFFF  }
0x73: {  	s31 =	sadd.s32 $0x100, s20;
	(ifvalue) =	ssetifvalue $0x7FFFFFFF  }
0x74: {  	v53 =	vor.u32 $0x200, v1;
	[tilespmem:s31], [sflag:$0x1] =	stream.indirect_vreg.gather [hbm4b:s2+s11], $0x1, v2, vm0, $0x4038;
	[tilespmem:$0x1100] =	vst v63  }
0x75: {  	(ifvalue) =	ssetifvalue $0x7FFFFFFF;
	v2 =	vnsel vm1, $0x7FFFFFFF, v53  }
0x76: {  	s15 =	sadd.s32 $0x180, s20;
	(ifvalue) =	ssetifvalue $0x7FFFFFFF  }
0x77: {  	v54 =	vor.u32 $0x280, v1;
	[tilespmem:s15], [sflag:$0x1] =	stream.indirect_vreg.gather [hbm4b:s2+s11], $0x1, v3, vm0, $0x4038;
	[tilespmem:$0x1100] =	vst v63  }
0x78: {  	v3 =	vnsel vm1, $0x7FFFFFFF, v54;
	(ifvalue) =	ssetifvalue $0x7FFFFFFF  }
0x79: {  	s18 =	sadd.s32 $0x200, s20;
	(ifvalue) =	ssetifvalue $0x7FFFFFFF  }
0x7a: {  	v55 =	vor.u32 $0x300, v1;
	[tilespmem:s18], [sflag:$0x1] =	stream.indirect_vreg.gather [hbm4b:s2+s11], $0x1, v2, vm0, $0x4038;
	[tilespmem:$0x1100] =	vst v63  }
0x7b: {  	(ifvalue) =	ssetifvalue $0x7FFFFFFF;
	v2 =	vnsel vm1, $0x7FFFFFFF, v55  }
0x7c: {  	s21 =	sadd.s32 $0x280, s20;
	(ifvalue) =	ssetifvalue $0x7FFFFFFF  }
0x7d: {  	v56 =	vor.u32 $0x380, v1;
	[tilespmem:s21], [sflag:$0x1] =	stream.indirect_vreg.gather [hbm4b:s2+s11], $0x1, v3, vm0, $0x4038;
	[tilespmem:$0x1100] =	vst v63  }
0x7e: {  	v3 =	vnsel vm1, $0x7FFFFFFF, v56;
	(ifvalue) =	ssetifvalue $0x7FFFFFFF  }
0x7f: {  	s22 =	sadd.s32 $0x300, s20;
	(ifvalue) =	ssetifvalue $0x7FFFFFFF  }
0x80: {  	v57 =	vadd.s32 $0x7A1400, v1;
	[tilespmem:s22], [sflag:$0x1] =	stream.indirect_vreg.gather [hbm4b:s2+s11], $0x1, v2, vm0, $0x4038;
	[tilespmem:$0x1100] =	vst v63  }
0x81: {  	(ifvalue) =	ssetifvalue $0x7FFFFFFF;
	v2 =	vnsel vm1, $0x7FFFFFFF, v57  }
0x82: {  	s23 =	sadd.s32 $0x380, s20;
	(ifvalue) =	ssetifvalue $0x7FFFFFFF  }
0x83: {  	v58 =	vadd.s32 $0x7A1480, v1;
	[tilespmem:s23], [sflag:$0x1] =	stream.indirect_vreg.gather [hbm4b:s2+s11], $0x1, v3, vm0, $0x4038;
	[tilespmem:$0x1100] =	vst v63  }
0x84: {  	v3 =	vnsel vm1, $0x7FFFFFFF, v58;
	(ifvalue) =	ssetifvalue $0x7FFFFFFF  }
0x85: {  	s24 =	sadd.s32 $0x400, s20;
	(ifvalue) =	ssetifvalue $0x7FFFFFFF  }
0x86: {  	v59 =	vadd.s32 $0x7A1500, v1;
	[tilespmem:s24], [sflag:$0x1] =	stream.indirect_vreg.gather [hbm4b:s2+s11], $0x1, v2, vm0, $0x4038;
	[tilespmem:$0x1100] =	vst v63  }
0x87: {  	(ifvalue) =	ssetifvalue $0x7FFFFFFF;
	v2 =	vnsel vm1, $0x7FFFFFFF, v59  }
0x88: {  	s25 =	sadd.s32 $0x480, s20;
	(ifvalue) =	ssetifvalue $0x7FFFFFFF  }
0x89: {  	v60 =	vadd.s32 $0x7A1580, v1;
	[tilespmem:s25], [sflag:$0x1] =	stream.indirect_vreg.gather [hbm4b:s2+s11], $0x1, v3, vm0, $0x4038;
	[tilespmem:$0x1100] =	vst v63  }
0x8a: {  	v3 =	vnsel vm1, $0x7FFFFFFF, v60;
	(ifvalue) =	ssetifvalue $0x7FFFFFFF  }
0x8b: {  	s26 =	sadd.s32 $0x500, s20;
	(ifvalue) =	ssetifvalue $0x7FFFFFFF  }
0x8c: {  	v61 =	vadd.s32 $0x7A1600, v1;
	[tilespmem:s26], [sflag:$0x1] =	stream.indirect_vreg.gather [hbm4b:s2+s11], $0x1, v2, vm0, $0x4038;
	[tilespmem:$0x1100] =	vst v63  }
0x8d: {  	(ifvalue) =	ssetifvalue $0x7FFFFFFF;
	v2 =	vnsel vm1, $0x7FFFFFFF, v61  }
0x8e: {  	s28 =	sadd.s32 $0x580, s20;
	(ifvalue) =	ssetifvalue $0x7FFFFFFF  }
0x8f: {  	v62 =	vadd.s32 $0x7A1680, v1;
	[tilespmem:s28], [sflag:$0x1] =	stream.indirect_vreg.gather [hbm4b:s2+s11], $0x1, v3, vm0, $0x4038;
	[tilespmem:$0x1100] =	vst v63  }
0x90: {  	v3 =	vnsel vm1, $0x7FFFFFFF, v62;
	(ifvalue) =	ssetifvalue $0x7FFFFFFF  }
0x91: {  	s29 =	sadd.s32 $0x600, s20;
	(ifvalue) =	ssetifvalue $0x7FFFFFFF  }
0x92: {  	v63 =	vadd.s32 $0x7A1700, v1;
	[tilespmem:s29], [sflag:$0x1] =	stream.indirect_vreg.gather [hbm4b:s2+s11], $0x1, v2, vm0, $0x4038;
	[tilespmem:$0x1100] =	vst v63  }
0x93: {  	(ifvalue) =	ssetifvalue $0x7FFFFFFF;
	v2 =	vnsel vm1, $0x7FFFFFFF, v63  }
0x94: {  	s31 =	sadd.s32 $0x680, s20;
	(ifvalue) =	ssetifvalue $0x7FFFFFFF  }
0x95: {  	v1 =	vadd.s32 $0x7A1780, v1;
	[tilespmem:s31], [sflag:$0x1] =	stream.indirect_vreg.gather [hbm4b:s2+s11], $0x1, v3, vm0, $0x4038;
	[tilespmem:$0x1100] =	vst v63  }
0x96: {  	s19 =	sadd.s32 $0xFFFFFFF0, s19;
	v1 =	vnsel vm1, $0x7FFFFFFF, v1;
	s30 =	sshll.u32 s12, $0xB;
	(ifvalue) =	ssetifvalue $0x7FFFFFFF  }
0x97: {  	s14 =	sand.u32 $0x800, s30;
	s18 =	sadd.s32 $0x700, s20;
	(ifvalue) =	ssetifvalue $0x7FFFFFFF  }
0x98: {  	[tilespmem:s18], [sflag:$0x1] =	stream.indirect_vreg.gather [hbm4b:s2+s11], $0x1, v2, vm0, $0x4038;
	[tilespmem:$0x1100] =	vst v63  }
0x99: {  	s15 =	sor.u32 $0x100, s14;
	s21 =	simm.s32 $0x80;
	(ifvalue) =	ssetifvalue $0x7FFFFFFF  }
0x9a: {  	s22 =	sadd.s32 $0x780, s20;
	s18 =	simm.s32 $0x10;
	(ifvalue) =	ssetifvalue $0x7FFFFFFF  }
.LBB2_3:
0x9b: {  	[tilespmem:s22], [sflag:$0x1] =	stream.indirect_vreg.gather [hbm4b:s2+s11], $0x1, v1, vm0, $0x4038;
	[tilespmem:$0x1100] =	vst v63  }
0x9c: {  	s20 =	smov.u32 s21  }
0x9d: {  	s23 =	sadd.s32 s18, s16;
	s22 =	sshra.s32 s20, $0x2;
	s20 =	sadd.s32 $0x40, s21  }
0x9e: {  	p1 =	sne.s32 s21, $0x1C0;
	v1 =	vld.msk [tilespmem:s23+$0x0 ss:$0x1], $0xffff  }
0x9f: {  	(ifvalue) =	ssetifvalue $0x7FFFFFFF;
	_ =	sdelay $0x3  }
0xa0: {  	vm1 =	vgt.s32 v1, $0x0  }
0xa1: {  	p2 =	sgt.s32 s19, $0x0;
	s21 =	smov.u32 s19;
	v1 =	vnsel vm1, $0x0, v1  }
0xa2: {  	s21 =	simm.s32 @!p2 $0x0;
	v1 =	vmin.u32 v1, $0xF423F  }
0xa3: {  	s21 =	smin.u32 s21, $0x10;
	v2 =	vshll.u32 v1, $0x3  }
0xa4: {  	v3 =	vmov s21;
	v1 =	vand.u32 $0x7F, v1;
	v2 =	vand.u32 $0x7FFC00, v2  }
0xa5: {  	vm1 =	vgt.u32 v3, v0;
	v1 =	vor.u32 v1, v2  }
0xa6: {  	v2 =	vnsel vm1, $0x7FFFFFFF, v1  }
0xa7: {  	v3 =	vor.u32 $0x80, v1;
	v4 =	vor.u32 $0x100, v1;
	v5 =	vor.u32 $0x180, v1  }
0xa8: {  	v6 =	vor.u32 $0x200, v1;
	v7 =	vor.u32 $0x280, v1;
	v8 =	vor.u32 $0x300, v1  }
0xa9: {  	v9 =	vor.u32 $0x380, v1;
	v10 =	vadd.s32 $0x7A1400, v1;
	v11 =	vadd.s32 $0x7A1480, v1  }
0xaa: {  	v12 =	vadd.s32 $0x7A1500, v1;
	v13 =	vadd.s32 $0x7A1580, v1;
	v3 =	vnsel vm1, $0x7FFFFFFF, v3  }
0xab: {  	s21 =	sadd.s32 s18, s17;
	s18 =	smov.u32 s22;
	v14 =	vadd.s32 $0x7A1600, v1;
	v15 =	vadd.s32 $0x7A1700, v1;
	(ifvalue) =	ssetifvalue $0x7FFFFFFF  }
0xac: {  	[tilespmem:s21], [sflag:$0x1] =	stream.indirect_vreg.gather [hbm4b:s2+s11], $0x1, v2, vm0, $0x4038;
	v2 =	vadd.s32 $0x7A1680, v1;
	v1 =	vadd.s32 $0x7A1780, v1;
	[tilespmem:$0x1100] =	vst v63  }
0xad: {  	v4 =	vnsel vm1, $0x7FFFFFFF, v4;
	(ifvalue) =	ssetifvalue $0x7FFFFFFF  }
0xae: {  	s22 =	sadd.s32 $0x80, s21;
	(ifvalue) =	ssetifvalue $0x7FFFFFFF  }
0xaf: {  	[tilespmem:s22], [sflag:$0x1] =	stream.indirect_vreg.gather [hbm4b:s2+s11], $0x1, v3, vm0, $0x4038;
	[tilespmem:$0x1100] =	vst v63  }
0xb0: {  	v3 =	vnsel vm1, $0x7FFFFFFF, v5;
	(ifvalue) =	ssetifvalue $0x7FFFFFFF  }
0xb1: {  	s22 =	sadd.s32 $0x100, s21;
	(ifvalue) =	ssetifvalue $0x7FFFFFFF  }
0xb2: {  	[tilespmem:s22], [sflag:$0x1] =	stream.indirect_vreg.gather [hbm4b:s2+s11], $0x1, v4, vm0, $0x4038;
	[tilespmem:$0x1100] =	vst v63  }
0xb3: {  	v4 =	vnsel vm1, $0x7FFFFFFF, v6;
	(ifvalue) =	ssetifvalue $0x7FFFFFFF  }
0xb4: {  	s22 =	sadd.s32 $0x180, s21;
	(ifvalue) =	ssetifvalue $0x7FFFFFFF  }
0xb5: {  	[tilespmem:s22], [sflag:$0x1] =	stream.indirect_vreg.gather [hbm4b:s2+s11], $0x1, v3, vm0, $0x4038;
	[tilespmem:$0x1100] =	vst v63  }
0xb6: {  	v3 =	vnsel vm1, $0x7FFFFFFF, v7;
	(ifvalue) =	ssetifvalue $0x7FFFFFFF  }
0xb7: {  	s22 =	sadd.s32 $0x200, s21;
	(ifvalue) =	ssetifvalue $0x7FFFFFFF  }
0xb8: {  	[tilespmem:s22], [sflag:$0x1] =	stream.indirect_vreg.gather [hbm4b:s2+s11], $0x1, v4, vm0, $0x4038;
	[tilespmem:$0x1100] =	vst v63  }
0xb9: {  	v4 =	vnsel vm1, $0x7FFFFFFF, v8;
	(ifvalue) =	ssetifvalue $0x7FFFFFFF  }
0xba: {  	s22 =	sadd.s32 $0x280, s21;
	(ifvalue) =	ssetifvalue $0x7FFFFFFF  }
0xbb: {  	[tilespmem:s22], [sflag:$0x1] =	stream.indirect_vreg.gather [hbm4b:s2+s11], $0x1, v3, vm0, $0x4038;
	[tilespmem:$0x1100] =	vst v63  }
0xbc: {  	v3 =	vnsel vm1, $0x7FFFFFFF, v9;
	(ifvalue) =	ssetifvalue $0x7FFFFFFF  }
0xbd: {  	s22 =	sadd.s32 $0x300, s21;
	(ifvalue) =	ssetifvalue $0x7FFFFFFF  }
0xbe: {  	[tilespmem:s22], [sflag:$0x1] =	stream.indirect_vreg.gather [hbm4b:s2+s11], $0x1, v4, vm0, $0x4038;
	[tilespmem:$0x1100] =	vst v63  }
0xbf: {  	v4 =	vnsel vm1, $0x7FFFFFFF, v10;
	(ifvalue) =	ssetifvalue $0x7FFFFFFF  }
0xc0: {  	s22 =	sadd.s32 $0x380, s21;
	(ifvalue) =	ssetifvalue $0x7FFFFFFF  }
0xc1: {  	[tilespmem:s22], [sflag:$0x1] =	stream.indirect_vreg.gather [hbm4b:s2+s11], $0x1, v3, vm0, $0x4038;
	[tilespmem:$0x1100] =	vst v63  }
0xc2: {  	v3 =	vnsel vm1, $0x7FFFFFFF, v11;
	(ifvalue) =	ssetifvalue $0x7FFFFFFF  }
0xc3: {  	s22 =	sadd.s32 $0x400, s21;
	(ifvalue) =	ssetifvalue $0x7FFFFFFF  }
0xc4: {  	[tilespmem:s22], [sflag:$0x1] =	stream.indirect_vreg.gather [hbm4b:s2+s11], $0x1, v4, vm0, $0x4038;
	[tilespmem:$0x1100] =	vst v63  }
0xc5: {  	v4 =	vnsel vm1, $0x7FFFFFFF, v12;
	(ifvalue) =	ssetifvalue $0x7FFFFFFF  }
0xc6: {  	s22 =	sadd.s32 $0x480, s21;
	(ifvalue) =	ssetifvalue $0x7FFFFFFF  }
0xc7: {  	[tilespmem:s22], [sflag:$0x1] =	stream.indirect_vreg.gather [hbm4b:s2+s11], $0x1, v3, vm0, $0x4038;
	[tilespmem:$0x1100] =	vst v63  }
0xc8: {  	v3 =	vnsel vm1, $0x7FFFFFFF, v13;
	(ifvalue) =	ssetifvalue $0x7FFFFFFF  }
0xc9: {  	s22 =	sadd.s32 $0x500, s21;
	(ifvalue) =	ssetifvalue $0x7FFFFFFF  }
0xca: {  	[tilespmem:s22], [sflag:$0x1] =	stream.indirect_vreg.gather [hbm4b:s2+s11], $0x1, v4, vm0, $0x4038;
	[tilespmem:$0x1100] =	vst v63  }
0xcb: {  	v4 =	vnsel vm1, $0x7FFFFFFF, v14;
	(ifvalue) =	ssetifvalue $0x7FFFFFFF  }
0xcc: {  	s22 =	sadd.s32 $0x580, s21;
	(ifvalue) =	ssetifvalue $0x7FFFFFFF  }
0xcd: {  	[tilespmem:s22], [sflag:$0x1] =	stream.indirect_vreg.gather [hbm4b:s2+s11], $0x1, v3, vm0, $0x4038;
	[tilespmem:$0x1100] =	vst v63  }
0xce: {  	v2 =	vnsel vm1, $0x7FFFFFFF, v2;
	(ifvalue) =	ssetifvalue $0x7FFFFFFF  }
0xcf: {  	s22 =	sadd.s32 $0x600, s21;
	(ifvalue) =	ssetifvalue $0x7FFFFFFF  }
0xd0: {  	[tilespmem:s22], [sflag:$0x1] =	stream.indirect_vreg.gather [hbm4b:s2+s11], $0x1, v4, vm0, $0x4038;
	[tilespmem:$0x1100] =	vst v63  }
0xd1: {  	v3 =	vnsel vm1, $0x7FFFFFFF, v15;
	(ifvalue) =	ssetifvalue $0x7FFFFFFF  }
0xd2: {  	s22 =	sadd.s32 $0x680, s21;
	(ifvalue) =	ssetifvalue $0x7FFFFFFF  }
0xd3: {  	[tilespmem:s22], [sflag:$0x1] =	stream.indirect_vreg.gather [hbm4b:s2+s11], $0x1, v2, vm0, $0x4038;
	[tilespmem:$0x1100] =	vst v63  }
.Ltmp3:
0xd4: {  	v1 =	vnsel vm1, $0x7FFFFFFF, v1;
	(ifvalue) =	ssetifvalue $0x7FFFFFFF;
	(pc) =	sbr.rel @p1 .LBB2_3-.Ltmp3, $4  }
0xd5: {  	s22 =	sadd.s32 $0x700, s21;
	(ifvalue) =	ssetifvalue $0x7FFFFFFF  }
0xd6: {  	[tilespmem:s22], [sflag:$0x1] =	stream.indirect_vreg.gather [hbm4b:s2+s11], $0x1, v3, vm0, $0x4038;
	[tilespmem:$0x1100] =	vst v63  }
0xd7: {  	s19 =	sadd.s32 $0xFFFFFFF0, s19;
	(ifvalue) =	ssetifvalue $0x7FFFFFFF  }
0xd8: {  	s22 =	sadd.s32 $0x780, s21;
	s21 =	smov.u32 s20;
	(ifvalue) =	ssetifvalue $0x7FFFFFFF  }
.Ltmp4:
0xd9: {  	_ = 	snop;
	(pc) =	sbr.rel .LBB2_4-.Ltmp4, $1  }
0xda: {  	_ =	sdelay $0x3  }
.LBB2_6:
0xdb: {  	_ =	sfence.sel $0x180000  }
0xdc: {  	s2 =	simm.s32 $0x2;
	[bflag:$0x0] =	sbarrier.arrive $0xFFFF  }
0xdd: {  	s30 =	simm.s32 $0x3;
	[sflag:s2] =	ssyncpa.u1 $0x1  }
0xde: {  	s31 =	simm.s32 $0x1;
	[sflag:s30] =	ssyncpa.u1 $0x1  }
0xdf: {  	[sflag:s31] =	ssyncpa.u1 $0x1  }
0xe0: {  	p0 =	sne.s32 s0, $0x0;
	_ =	strace $0x9000004D  }
0xe1: {  	s0 =	sadd.s32 @!p0 $0x100000, s1;
	[bflag:$0x2] =	sbarrier.arrive $0xFFFF  }
0xe2: {  	[sflag:s0] =	ssyncadd.tile.s32 @!p0 $0x1;
	_ =	shalt  }
.Lfunc_end2:
_tile_overlayer_lowered:
.L_overlay_start_2:
0xe3: {  	(tag) =	ssettag $0x2  }
0xe4: {  	s0 =	rddreg [dreg:$0x0];
	s2 =	stileid.u32  }
0xe5: {  	s1 =	rddreg [dreg:$0x1];
	p0 =	sne.s32 s2, $0x0  }
0xe6: {  	s3 =	rddreg [dreg:$0x2];
	[bflag:$0x3] =	sbarrier.arrive $0xFFFF;
	s2 =	simm.s32 @!p0 $0x1C01  }
0xe7: {  	[timem:s3], [sflag:s2] =	dma.local @!p0 [hbm:s0], s1  }
0xe8: {  	s0 =	simm.s32 @!p0 $0x1  }
0xe9: {  	_ =	swait.ge @!p0 [sflag:s0], s1  }
0xea: {  	s1 =	ssub.s32 @!p0 $0x0, s1;
	[sflag:s0] =	ssyncset.done @!p0 $0x0  }
0xeb: {  	[sflag:s0] =	ssyncadd.s32 @!p0 s1  }
0xec: {  	[bflag:$0x3] =	sbarrier.arrive $0xFFFF  }
0xed: {  	_ =	shalt  }

</sc_bundles>
